<compile_context>
chip_gen: v7x
topology: tpu7x:2x2x1
jax: 0.10.2.dev20260603
libtpu: 0.0.44.dev20260713+nightly
codegen_flags: <defaults>
</compile_context>

<pallas_src>
import functools

import jax
import jax.numpy as jnp
from jax import lax
from jax.experimental import pallas as pl
from jax.experimental.pallas import tpu as pltpu
from jax.experimental.pallas import tpu_sc as plsc

_N = 1600000
_TARGET_BER = 0.5
_NUM_CORES = 2
_NUM_SUBCORES = 16
_NUM_TILES = _NUM_CORES * _NUM_SUBCORES
_PER_TILE = _N // _NUM_TILES
_B = 2000
_B_ALN = 2176
_STEPS = _B // 16
_CHUNKS = _PER_TILE // _B

_mesh = plsc.VectorSubcoreMesh(
    core_axis_name="c", subcore_axis_name="s",
    num_cores=_NUM_CORES, num_subcores=_NUM_SUBCORES)


@functools.partial(
    pl.kernel,
    out_type=(
        jax.ShapeDtypeStruct((_NUM_TILES, 16), jnp.float32),
        jax.ShapeDtypeStruct((_NUM_TILES, 16), jnp.float32),
    ),
    mesh=_mesh,
    compiler_params=pltpu.CompilerParams(needs_layout_passes=False),
    scratch_types=[
        pltpu.VMEM((2, _B_ALN), jnp.float32),
        pltpu.VMEM((2, _B_ALN), jnp.float32),
        pltpu.VMEM((_B,), jnp.int32),
        pltpu.VMEM((_B,), jnp.int32),
        pltpu.VMEM((_B,), jnp.int32),
        pltpu.VMEM((_B,), jnp.int32),
        pltpu.VMEM((16,), jnp.float32),
        pltpu.VMEM((16,), jnp.float32),
        pltpu.SemaphoreType.DMA,
        pltpu.SemaphoreType.DMA,
    ],
)
def _partials_sc(in_hbm, tgt_hbm, sens_hbm, sums_hbm, cnts_hbm,
                 rows_a, rows_b, tgt_a, tgt_b, sens_a, sens_b,
                 res_s_v, res_c_v, sem_a, sem_b):
    wid = lax.axis_index("s") * _NUM_CORES + lax.axis_index("c")
    base = wid * _PER_TILE
    iota = lax.iota(jnp.int32, 16)
    zero = jnp.zeros((16,), jnp.float32)
    one = jnp.ones((16,), jnp.float32)

    def win_start(start):
        s0 = jnp.minimum((start // 128) * 128, _N - _B_ALN)
        return pl.multiple_of(s0, 128)

    def issue(chunk, rows_v, tgt_v, sens_v, sem):
        start = base + chunk * _B
        pltpu.async_copy(in_hbm.at[:, pl.ds(win_start(start), _B_ALN)], rows_v, sem)
        pltpu.async_copy(tgt_hbm.at[pl.ds(start, _B)], tgt_v, sem)
        pltpu.async_copy(sens_hbm.at[pl.ds(start, _B)], sens_v, sem)

    def drain(rows_v, tgt_v, sens_v, sem):
        pltpu.make_async_copy(in_hbm.at[:, pl.ds(0, _B_ALN)], rows_v, sem).wait()
        pltpu.make_async_copy(tgt_hbm.at[pl.ds(0, _B)], tgt_v, sem).wait()
        pltpu.make_async_copy(sens_hbm.at[pl.ds(0, _B)], sens_v, sem).wait()

    def compute(chunk, rows_v, tgt_v, sens_v, accs):
        start = base + chunk * _B
        delta = start - win_start(start)

        @plsc.parallel_loop(0, _STEPS, unroll=5, carry=accs)
        def accs(j, carry):
            s0, s1, s2, s3, c0, c1, c2, c3 = carry
            off = j * 16
            t = tgt_v[pl.ds(off, 16)]
            s = sens_v[pl.ds(off, 16)]
            x = plsc.load_gather(rows_v, [t, delta + off + iota])
            x = jnp.abs(jnp.float32(1.0) - x)
            m0 = s == 0
            m1 = s == 1
            m2 = s == 2
            m3 = s == 3
            s0 = s0 + jnp.where(m0, x, zero)
            s1 = s1 + jnp.where(m1, x, zero)
            s2 = s2 + jnp.where(m2, x, zero)
            s3 = s3 + jnp.where(m3, x, zero)
            c0 = c0 + jnp.where(m0, one, zero)
            c1 = c1 + jnp.where(m1, one, zero)
            c2 = c2 + jnp.where(m2, one, zero)
            c3 = c3 + jnp.where(m3, one, zero)
            return (s0, s1, s2, s3, c0, c1, c2, c3)

        return accs

    issue(0, rows_a, tgt_a, sens_a, sem_a)

    def pair_body(k, accs):
        c = 2 * k
        drain(rows_a, tgt_a, sens_a, sem_a)
        issue(c + 1, rows_b, tgt_b, sens_b, sem_b)
        accs = compute(c, rows_a, tgt_a, sens_a, accs)
        drain(rows_b, tgt_b, sens_b, sem_b)
        issue(c + 2, rows_a, tgt_a, sens_a, sem_a)
        accs = compute(c + 1, rows_b, tgt_b, sens_b, accs)
        return accs

    accs = lax.fori_loop(
        0, (_CHUNKS - 1) // 2, pair_body,
        (zero, zero, zero, zero, zero, zero, zero, zero))
    drain(rows_a, tgt_a, sens_a, sem_a)
    accs = compute(_CHUNKS - 1, rows_a, tgt_a, sens_a, accs)

    res_s = zero
    res_c = zero
    for g in range(4):
        res_s = jnp.where(iota == g, jnp.sum(accs[g]), res_s)
        res_c = jnp.where(iota == g, jnp.sum(accs[4 + g]), res_c)
    res_s_v[...] = res_s
    res_c_v[...] = res_c
    pltpu.sync_copy(res_s_v, sums_hbm.at[wid])
    pltpu.sync_copy(res_c_v, cnts_hbm.at[wid])


def _finalize_tc(s_ref, c_ref, o_ref):
    ts = jnp.sum(s_ref[...], axis=0, keepdims=True)
    tc = jnp.sum(c_ref[...], axis=0, keepdims=True)
    present = tc > 0
    means = jnp.where(present, ts / jnp.maximum(tc, jnp.float32(1e-12)), 0.0)
    li = lax.broadcasted_iota(jnp.int32, (1, 16), 1)
    ng = jnp.max(jnp.where(present, li + 1, 0)).astype(jnp.float32)
    gm = jnp.sum(means) / ng
    o_ref[...] = jnp.reshape(jnp.abs(jnp.float32(_TARGET_BER) - gm), (1, 1))


def kernel(input, target, sens):
    sums, cnts = _partials_sc(jnp.swapaxes(input, 0, 1), target, sens)
    res = pl.pallas_call(
        _finalize_tc,
        out_shape=jax.ShapeDtypeStruct((1, 1), jnp.float32),
    )(sums, cnts)
    return res[0, 0]

# --- scband reference (transcript-rebuilt; emitter-appended) ---
"""Pipeline reference for scband-balanced-error-rate-loss-30494267802288 (READ-ONLY COPY).

The authoritative reference and input builder live on the scoring server;
editing this copy changes nothing except your own understanding.
"""

import jax, jax.numpy as jnp
import numpy as np

N = 1600000
C = 2
G = 4
TARGET_BER = 0.5


def setup_inputs(seed: int = 0) -> dict:
    key = jax.random.key(seed)
    k1, k2, k3 = jax.random.split(key, 3)
    inp = jax.random.uniform(k1, (N, C), dtype=jnp.float32)
    target = jax.random.randint(k2, (N,), 0, C, dtype=jnp.int32)
    sens = jax.random.randint(k3, (N,), 0, G, dtype=jnp.int32)
    return {"input": inp, "target": target, "sens": sens}


def reference(input, target, sens):
    # out = input[range(len(target)), target]
    out = jnp.take_along_axis(input, target[:, None].astype(jnp.int32), axis=1)[:, 0]
    out = jnp.abs(1.0 - out)
    # m = zeros(sens.max()+1, l); m[sens, arange(l)] = 1; normalize p=1 dim=1; m @ out
    # Equivalent: per-sensitive-group mean via segment_sum.
    num_groups = jnp.max(sens) + 1
    sums = jax.ops.segment_sum(out, sens, num_segments=G)
    counts = jax.ops.segment_sum(jnp.ones_like(out), sens, num_segments=G)
    # F.normalize(p=1) leaves all-zero rows as zero
    means = jnp.where(counts > 0, sums / jnp.maximum(counts, 1e-12), 0.0)
    group_mean = means.sum() / num_groups.astype(means.dtype)
    return jnp.abs(TARGET_BER - group_mean)

if __name__ == "__main__":
    import jax
    _d = setup_inputs()
    print(jax.jit(kernel)(*tuple(_d.values())))

</pallas_src>

<mosaic_0001>
#map = affine_map<(d0, d1) -> (0, 0)>
#map1 = affine_map<(d0, d1) -> (0)>
module attributes {stable_mosaic.version = 14 : i64} {
  func.func @_partials_sc(%arg0: i32, %arg1: i32, %arg2: memref<2x1600000xf32, #tpu.memory_space<hbm>>, %arg3: memref<1600000xi32, #tpu.memory_space<hbm>>, %arg4: memref<1600000xi32, #tpu.memory_space<hbm>>, %arg5: memref<32x16xf32, #tpu.memory_space<hbm>>, %arg6: memref<32x16xf32, #tpu.memory_space<hbm>>, %arg7: memref<2x2176xf32, #tpu.memory_space<vmem>>, %arg8: memref<2x2176xf32, #tpu.memory_space<vmem>>, %arg9: memref<2000xi32, #tpu.memory_space<vmem>>, %arg10: memref<2000xi32, #tpu.memory_space<vmem>>, %arg11: memref<2000xi32, #tpu.memory_space<vmem>>, %arg12: memref<2000xi32, #tpu.memory_space<vmem>>, %arg13: memref<16xf32, #tpu.memory_space<vmem>>, %arg14: memref<16xf32, #tpu.memory_space<vmem>>, %arg15: memref<!tpu.dma_semaphore, #tpu.memory_space<semaphore_mem>>, %arg16: memref<!tpu.dma_semaphore, #tpu.memory_space<semaphore_mem>>) attributes {dimension_semantics = [#tpu.dimension_semantics<core_parallel>, #tpu.dimension_semantics<subcore_parallel>], iteration_bounds = array<i64: 2, 16>, scalar_prefetch = 0 : i64, scratch_operands = 10 : i64, tpu.core_type = #tpu.core_type<sc_vector_subcore>, window_params = [{transform_indices = #map}, {transform_indices = #map1}, {transform_indices = #map1}, {transform_indices = #map}, {transform_indices = #map}]} {
    %mul3A = arith.constant 2 : i32
    %mul3A_0 = arith.muli %arg1, %mul3A : i32
    %add3A = arith.addi %mul3A_0, %arg0 : i32
    %mul3A_1 = arith.constant 50000 : i32
    %mul3A_2 = arith.muli %add3A, %mul3A_1 : i32
    %iota3A = tpu.iota {dimensions = array<i32: 0>} : vector<16xi32>
    %broadcast_in_dim3A = arith.constant 0.000000e+00 : f32
    %broadcast_in_dim3A_3 = vector.broadcast %broadcast_in_dim3A : f32 to vector<16xf32>
    %broadcast_in_dim3A_4 = arith.constant 1.000000e+00 : f32
    %broadcast_in_dim3A_5 = vector.broadcast %broadcast_in_dim3A_4 : f32 to vector<16xf32>
    %add3A_6 = arith.constant 0 : i32
    %add3A_7 = arith.addi %mul3A_2, %add3A_6 : i32
    %jit3A = arith.constant 128 : i32
    %div3A = arith.divsi %add3A_7, %jit3A : i32
    %sign3A = arith.constant 0 : i32
    %sign3A_8 = arith.cmpi sgt, %add3A_7, %sign3A : i32
    %sign3A_9 = arith.extui %sign3A_8 : i1 to i32
    %sign3A_10 = arith.constant 0 : i32
    %sign3A_11 = arith.cmpi slt, %add3A_7, %sign3A_10 : i32
    %sign3A_12 = arith.extui %sign3A_11 : i1 to i32
    %sign3A_13 = arith.subi %sign3A_9, %sign3A_12 : i32
    %sign3A_14 = arith.constant 0 : i32
    %sign3A_15 = arith.cmpi sgt, %jit3A, %sign3A_14 : i32
    %sign3A_16 = arith.extui %sign3A_15 : i1 to i32
    %sign3A_17 = arith.constant 0 : i32
    %sign3A_18 = arith.cmpi slt, %jit3A, %sign3A_17 : i32
    %sign3A_19 = arith.extui %sign3A_18 : i1 to i32
    %sign3A_20 = arith.subi %sign3A_16, %sign3A_19 : i32
    %ne3A = arith.cmpi ne, %sign3A_13, %sign3A_20 : i32
    %rem3A = arith.remsi %add3A_7, %jit3A : i32
    %ne3A_21 = arith.constant 0 : i32
    %ne3A_22 = arith.cmpi ne, %rem3A, %ne3A_21 : i32
    %and3A = arith.andi %ne3A, %ne3A_22 : i1
    %sub3A = arith.constant 1 : i32
    %sub3A_23 = arith.subi %div3A, %sub3A : i32
    %select_n3A = arith.select %and3A, %sub3A_23, %div3A : i32
    %mul3A_24 = arith.constant 128 : i32
    %mul3A_25 = arith.muli %select_n3A, %mul3A_24 : i32
    %min3A = arith.constant 1597824 : i32
    %min3A_26 = arith.minsi %mul3A_25, %min3A : i32
    %multiple_of3A = tpu.assume_multiple %min3A_26, 128 : i32
    %dma_start3A = arith.constant 0 : i32
    %dma_start3A_27 = tpu.memref_slice %arg2[%dma_start3A, %multiple_of3A] : memref<2x1600000xf32, #tpu.memory_space<hbm>> -> memref<2x2176xf32, #tpu.memory_space<hbm>>
    %dma_start3A_28 = arith.constant 0 : i32
    %dma_start3A_29 = tpu.memref_slice %arg2[%dma_start3A_28, %multiple_of3A] : memref<2x1600000xf32, #tpu.memory_space<hbm>> -> memref<2x2176xf32, #tpu.memory_space<hbm>>
    tpu.enqueue_dma source(%dma_start3A_29 : memref<2x2176xf32, #tpu.memory_space<hbm>>) target(%arg7 : memref<2x2176xf32, #tpu.memory_space<vmem>>) target_semaphore(%arg15 : memref<!tpu.dma_semaphore, #tpu.memory_space<semaphore_mem>>)
    %dma_start3A_30 = tpu.memref_slice %arg3[%add3A_7] : memref<1600000xi32, #tpu.memory_space<hbm>> -> memref<2000xi32, #tpu.memory_space<hbm>>
    %dma_start3A_31 = tpu.memref_slice %arg3[%add3A_7] : memref<1600000xi32, #tpu.memory_space<hbm>> -> memref<2000xi32, #tpu.memory_space<hbm>>
    tpu.enqueue_dma source(%dma_start3A_31 : memref<2000xi32, #tpu.memory_space<hbm>>) target(%arg9 : memref<2000xi32, #tpu.memory_space<vmem>>) target_semaphore(%arg15 : memref<!tpu.dma_semaphore, #tpu.memory_space<semaphore_mem>>)
    %dma_start3A_32 = tpu.memref_slice %arg4[%add3A_7] : memref<1600000xi32, #tpu.memory_space<hbm>> -> memref<2000xi32, #tpu.memory_space<hbm>>
    %dma_start3A_33 = tpu.memref_slice %arg4[%add3A_7] : memref<1600000xi32, #tpu.memory_space<hbm>> -> memref<2000xi32, #tpu.memory_space<hbm>>
    tpu.enqueue_dma source(%dma_start3A_33 : memref<2000xi32, #tpu.memory_space<hbm>>) target(%arg11 : memref<2000xi32, #tpu.memory_space<vmem>>) target_semaphore(%arg15 : memref<!tpu.dma_semaphore, #tpu.memory_space<semaphore_mem>>)
    %scan3A = arith.constant 0 : i32
    %scan3A_34 = arith.constant 12 : i32
    %scan3A_35 = arith.addi %scan3A, %scan3A_34 : i32
    %scan3A_36 = arith.constant 1 : i32
    %scan3A_37:8 = scf.for %scan3A_160 = %scan3A to %scan3A_35 step %scan3A_36 iter_args(%scan3A_161 = %broadcast_in_dim3A_3, %scan3A_162 = %broadcast_in_dim3A_3, %scan3A_163 = %broadcast_in_dim3A_3, %scan3A_164 = %broadcast_in_dim3A_3, %scan3A_165 = %broadcast_in_dim3A_3, %scan3A_166 = %broadcast_in_dim3A_3, %scan3A_167 = %broadcast_in_dim3A_3, %scan3A_168 = %broadcast_in_dim3A_3) -> (vector<16xf32>, vector<16xf32>, vector<16xf32>, vector<16xf32>, vector<16xf32>, vector<16xf32>, vector<16xf32>, vector<16xf32>)  : i32 {
      %mul3A_169 = arith.constant 2 : i32
      %mul3A_170 = arith.muli %mul3A_169, %scan3A_160 : i32
      %dma_wait3A_171 = arith.constant 0 : i32
      %dma_wait3A_172 = arith.constant 0 : i32
      %dma_wait3A_173 = tpu.memref_slice %arg2[%dma_wait3A_171, %dma_wait3A_172] : memref<2x1600000xf32, #tpu.memory_space<hbm>> -> memref<2x2176xf32, #tpu.memory_space<hbm>>
      %dma_wait3A_174 = arith.constant 0 : i32
      %dma_wait3A_175 = arith.constant 0 : i32
      %dma_wait3A_176 = tpu.memref_slice %arg2[%dma_wait3A_174, %dma_wait3A_175] : memref<2x1600000xf32, #tpu.memory_space<hbm>> -> memref<2x2176xf32, #tpu.memory_space<hbm>>
      tpu.wait_dma2 semaphore(%arg15 : memref<!tpu.dma_semaphore, #tpu.memory_space<semaphore_mem>>) src(%dma_wait3A_176 : memref<2x2176xf32, #tpu.memory_space<hbm>>) dst(%arg7 : memref<2x2176xf32, #tpu.memory_space<vmem>>)
      %dma_wait3A_177 = arith.constant 0 : i32
      %dma_wait3A_178 = tpu.memref_slice %arg3[%dma_wait3A_177] : memref<1600000xi32, #tpu.memory_space<hbm>> -> memref<2000xi32, #tpu.memory_space<hbm>>
      %dma_wait3A_179 = arith.constant 0 : i32
      %dma_wait3A_180 = tpu.memref_slice %arg3[%dma_wait3A_179] : memref<1600000xi32, #tpu.memory_space<hbm>> -> memref<2000xi32, #tpu.memory_space<hbm>>
      tpu.wait_dma2 semaphore(%arg15 : memref<!tpu.dma_semaphore, #tpu.memory_space<semaphore_mem>>) src(%dma_wait3A_180 : memref<2000xi32, #tpu.memory_space<hbm>>) dst(%arg9 : memref<2000xi32, #tpu.memory_space<vmem>>)
      %dma_wait3A_181 = arith.constant 0 : i32
      %dma_wait3A_182 = tpu.memref_slice %arg4[%dma_wait3A_181] : memref<1600000xi32, #tpu.memory_space<hbm>> -> memref<2000xi32, #tpu.memory_space<hbm>>
      %dma_wait3A_183 = arith.constant 0 : i32
      %dma_wait3A_184 = tpu.memref_slice %arg4[%dma_wait3A_183] : memref<1600000xi32, #tpu.memory_space<hbm>> -> memref<2000xi32, #tpu.memory_space<hbm>>
      tpu.wait_dma2 semaphore(%arg15 : memref<!tpu.dma_semaphore, #tpu.memory_space<semaphore_mem>>) src(%dma_wait3A_184 : memref<2000xi32, #tpu.memory_space<hbm>>) dst(%arg11 : memref<2000xi32, #tpu.memory_space<vmem>>)
      %add3A_185 = arith.constant 1 : i32
      %add3A_186 = arith.addi %mul3A_170, %add3A_185 : i32
      %mul3A_187 = arith.constant 2000 : i32
      %mul3A_188 = arith.muli %add3A_186, %mul3A_187 : i32
      %add3A_189 = arith.addi %mul3A_2, %mul3A_188 : i32
      %jit3A_190 = arith.constant 128 : i32
      %div3A_191 = arith.divsi %add3A_189, %jit3A_190 : i32
      %sign3A_192 = arith.constant 0 : i32
      %sign3A_193 = arith.cmpi sgt, %add3A_189, %sign3A_192 : i32
      %sign3A_194 = arith.extui %sign3A_193 : i1 to i32
      %sign3A_195 = arith.constant 0 : i32
      %sign3A_196 = arith.cmpi slt, %add3A_189, %sign3A_195 : i32
      %sign3A_197 = arith.extui %sign3A_196 : i1 to i32
      %sign3A_198 = arith.subi %sign3A_194, %sign3A_197 : i32
      %sign3A_199 = arith.constant 0 : i32
      %sign3A_200 = arith.cmpi sgt, %jit3A_190, %sign3A_199 : i32
      %sign3A_201 = arith.extui %sign3A_200 : i1 to i32
      %sign3A_202 = arith.constant 0 : i32
      %sign3A_203 = arith.cmpi slt, %jit3A_190, %sign3A_202 : i32
      %sign3A_204 = arith.extui %sign3A_203 : i1 to i32
      %sign3A_205 = arith.subi %sign3A_201, %sign3A_204 : i32
      %ne3A_206 = arith.cmpi ne, %sign3A_198, %sign3A_205 : i32
      %rem3A_207 = arith.remsi %add3A_189, %jit3A_190 : i32
      %ne3A_208 = arith.constant 0 : i32
      %ne3A_209 = arith.cmpi ne, %rem3A_207, %ne3A_208 : i32
      %and3A_210 = arith.andi %ne3A_206, %ne3A_209 : i1
      %sub3A_211 = arith.constant 1 : i32
      %sub3A_212 = arith.subi %div3A_191, %sub3A_211 : i32
      %select_n3A_213 = arith.select %and3A_210, %sub3A_212, %div3A_191 : i32
      %mul3A_214 = arith.constant 128 : i32
      %mul3A_215 = arith.muli %select_n3A_213, %mul3A_214 : i32
      %min3A_216 = arith.constant 1597824 : i32
      %min3A_217 = arith.minsi %mul3A_215, %min3A_216 : i32
      %multiple_of3A_218 = tpu.assume_multiple %min3A_217, 128 : i32
      %dma_start3A_219 = arith.constant 0 : i32
      %dma_start3A_220 = tpu.memref_slice %arg2[%dma_start3A_219, %multiple_of3A_218] : memref<2x1600000xf32, #tpu.memory_space<hbm>> -> memref<2x2176xf32, #tpu.memory_space<hbm>>
      %dma_start3A_221 = arith.constant 0 : i32
      %dma_start3A_222 = tpu.memref_slice %arg2[%dma_start3A_221, %multiple_of3A_218] : memref<2x1600000xf32, #tpu.memory_space<hbm>> -> memref<2x2176xf32, #tpu.memory_space<hbm>>
      tpu.enqueue_dma source(%dma_start3A_222 : memref<2x2176xf32, #tpu.memory_space<hbm>>) target(%arg8 : memref<2x2176xf32, #tpu.memory_space<vmem>>) target_semaphore(%arg16 : memref<!tpu.dma_semaphore, #tpu.memory_space<semaphore_mem>>)
      %dma_start3A_223 = tpu.memref_slice %arg3[%add3A_189] : memref<1600000xi32, #tpu.memory_space<hbm>> -> memref<2000xi32, #tpu.memory_space<hbm>>
      %dma_start3A_224 = tpu.memref_slice %arg3[%add3A_189] : memref<1600000xi32, #tpu.memory_space<hbm>> -> memref<2000xi32, #tpu.memory_space<hbm>>
      tpu.enqueue_dma source(%dma_start3A_224 : memref<2000xi32, #tpu.memory_space<hbm>>) target(%arg10 : memref<2000xi32, #tpu.memory_space<vmem>>) target_semaphore(%arg16 : memref<!tpu.dma_semaphore, #tpu.memory_space<semaphore_mem>>)
      %dma_start3A_225 = tpu.memref_slice %arg4[%add3A_189] : memref<1600000xi32, #tpu.memory_space<hbm>> -> memref<2000xi32, #tpu.memory_space<hbm>>
      %dma_start3A_226 = tpu.memref_slice %arg4[%add3A_189] : memref<1600000xi32, #tpu.memory_space<hbm>> -> memref<2000xi32, #tpu.memory_space<hbm>>
      tpu.enqueue_dma source(%dma_start3A_226 : memref<2000xi32, #tpu.memory_space<hbm>>) target(%arg12 : memref<2000xi32, #tpu.memory_space<vmem>>) target_semaphore(%arg16 : memref<!tpu.dma_semaphore, #tpu.memory_space<semaphore_mem>>)
      %mul3A_227 = arith.constant 2000 : i32
      %mul3A_228 = arith.muli %mul3A_170, %mul3A_227 : i32
      %add3A_229 = arith.addi %mul3A_2, %mul3A_228 : i32
      %jit3A_230 = arith.constant 128 : i32
      %div3A_231 = arith.divsi %add3A_229, %jit3A_230 : i32
      %sign3A_232 = arith.constant 0 : i32
      %sign3A_233 = arith.cmpi sgt, %add3A_229, %sign3A_232 : i32
      %sign3A_234 = arith.extui %sign3A_233 : i1 to i32
      %sign3A_235 = arith.constant 0 : i32
      %sign3A_236 = arith.cmpi slt, %add3A_229, %sign3A_235 : i32
      %sign3A_237 = arith.extui %sign3A_236 : i1 to i32
      %sign3A_238 = arith.subi %sign3A_234, %sign3A_237 : i32
      %sign3A_239 = arith.constant 0 : i32
      %sign3A_240 = arith.cmpi sgt, %jit3A_230, %sign3A_239 : i32
      %sign3A_241 = arith.extui %sign3A_240 : i1 to i32
      %sign3A_242 = arith.constant 0 : i32
      %sign3A_243 = arith.cmpi slt, %jit3A_230, %sign3A_242 : i32
      %sign3A_244 = arith.extui %sign3A_243 : i1 to i32
      %sign3A_245 = arith.subi %sign3A_241, %sign3A_244 : i32
      %ne3A_246 = arith.cmpi ne, %sign3A_238, %sign3A_245 : i32
      %rem3A_247 = arith.remsi %add3A_229, %jit3A_230 : i32
      %ne3A_248 = arith.constant 0 : i32
      %ne3A_249 = arith.cmpi ne, %rem3A_247, %ne3A_248 : i32
      %and3A_250 = arith.andi %ne3A_246, %ne3A_249 : i1
      %sub3A_251 = arith.constant 1 : i32
      %sub3A_252 = arith.subi %div3A_231, %sub3A_251 : i32
      %select_n3A_253 = arith.select %and3A_250, %sub3A_252, %div3A_231 : i32
      %mul3A_254 = arith.constant 128 : i32
      %mul3A_255 = arith.muli %select_n3A_253, %mul3A_254 : i32
      %min3A_256 = arith.constant 1597824 : i32
      %min3A_257 = arith.minsi %mul3A_255, %min3A_256 : i32
      %multiple_of3A_258 = tpu.assume_multiple %min3A_257, 128 : i32
      %sub3A_259 = arith.subi %add3A_229, %multiple_of3A_258 : i32
      %parallel_loop3A_260 = arith.constant 0 : i32
      %parallel_loop3A_261 = arith.constant 125 : i32
      %parallel_loop3A_262 = arith.constant 1 : i32
      %parallel_loop3A_263:8 = scf.for %parallel_loop3A_359 = %parallel_loop3A_260 to %parallel_loop3A_261 step %parallel_loop3A_262 iter_args(%parallel_loop3A_360 = %scan3A_161, %parallel_loop3A_361 = %scan3A_162, %parallel_loop3A_362 = %scan3A_163, %parallel_loop3A_363 = %scan3A_164, %parallel_loop3A_364 = %scan3A_165, %parallel_loop3A_365 = %scan3A_166, %parallel_loop3A_366 = %scan3A_167, %parallel_loop3A_367 = %scan3A_168) -> (vector<16xf32>, vector<16xf32>, vector<16xf32>, vector<16xf32>, vector<16xf32>, vector<16xf32>, vector<16xf32>, vector<16xf32>)  : i32 {
        %parallel_loop3A_368 = arith.constant 16 : i32
        %parallel_loop3A_369 = arith.muli %parallel_loop3A_359, %parallel_loop3A_368 : i32
        %parallel_loop3A_370 = arith.index_cast %parallel_loop3A_369 : i32 to index
        %parallel_loop3A_371 = tpu.vector_load %arg9[%parallel_loop3A_370] {strides = array<i32>} : memref<2000xi32, #tpu.memory_space<vmem>>, vector<16xi32>,
        %parallel_loop3A_372 = arith.index_cast %parallel_loop3A_369 : i32 to index
        %parallel_loop3A_373 = tpu.vector_load %arg11[%parallel_loop3A_372] {strides = array<i32>} : memref<2000xi32, #tpu.memory_space<vmem>>, vector<16xi32>,
        %parallel_loop3A_374 = arith.addi %sub3A_259, %parallel_loop3A_369 : i32
        %parallel_loop3A_375 = vector.broadcast %parallel_loop3A_374 : i32 to vector<16xi32>
        %parallel_loop3A_376 = arith.addi %parallel_loop3A_375, %iota3A : vector<16xi32>
        %parallel_loop3A_377 = tpu.vector_load_idx %arg7[%parallel_loop3A_371, %parallel_loop3A_376] : memref<2x2176xf32, #tpu.memory_space<vmem>>[vector<16xi32>, vector<16xi32>], vector<16xf32>,
        %parallel_loop3A_378 = arith.constant 1.000000e+00 : f32
        %parallel_loop3A_379 = vector.broadcast %parallel_loop3A_378 : f32 to vector<16xf32>
        %parallel_loop3A_380 = arith.subf %parallel_loop3A_379, %parallel_loop3A_377 : vector<16xf32>
        %parallel_loop3A_381 = math.absf %parallel_loop3A_380 : vector<16xf32>
        %parallel_loop3A_382 = arith.constant 0 : i32
        %parallel_loop3A_383 = vector.broadcast %parallel_loop3A_382 : i32 to vector<16xi32>
        %parallel_loop3A_384 = arith.cmpi eq, %parallel_loop3A_373, %parallel_loop3A_383 : vector<16xi32>
        %parallel_loop3A_385 = arith.constant 1 : i32
        %parallel_loop3A_386 = vector.broadcast %parallel_loop3A_385 : i32 to vector<16xi32>
        %parallel_loop3A_387 = arith.cmpi eq, %parallel_loop3A_373, %parallel_loop3A_386 : vector<16xi32>
        %parallel_loop3A_388 = arith.constant 2 : i32
        %parallel_loop3A_389 = vector.broadcast %parallel_loop3A_388 : i32 to vector<16xi32>
        %parallel_loop3A_390 = arith.cmpi eq, %parallel_loop3A_373, %parallel_loop3A_389 : vector<16xi32>
        %parallel_loop3A_391 = arith.constant 3 : i32
        %parallel_loop3A_392 = vector.broadcast %parallel_loop3A_391 : i32 to vector<16xi32>
        %parallel_loop3A_393 = arith.cmpi eq, %parallel_loop3A_373, %parallel_loop3A_392 : vector<16xi32>
        %parallel_loop3A_394 = arith.select %parallel_loop3A_384, %parallel_loop3A_381, %broadcast_in_dim3A_3 : vector<16xi1>, vector<16xf32>
        %parallel_loop3A_395 = arith.addf %parallel_loop3A_360, %parallel_loop3A_394 : vector<16xf32>
        %parallel_loop3A_396 = arith.select %parallel_loop3A_387, %parallel_loop3A_381, %broadcast_in_dim3A_3 : vector<16xi1>, vector<16xf32>
        %parallel_loop3A_397 = arith.addf %parallel_loop3A_361, %parallel_loop3A_396 : vector<16xf32>
        %parallel_loop3A_398 = arith.select %parallel_loop3A_390, %parallel_loop3A_381, %broadcast_in_dim3A_3 : vector<16xi1>, vector<16xf32>
        %parallel_loop3A_399 = arith.addf %parallel_loop3A_362, %parallel_loop3A_398 : vector<16xf32>
        %parallel_loop3A_400 = arith.select %parallel_loop3A_393, %parallel_loop3A_381, %broadcast_in_dim3A_3 : vector<16xi1>, vector<16xf32>
        %parallel_loop3A_401 = arith.addf %parallel_loop3A_363, %parallel_loop3A_400 : vector<16xf32>
        %parallel_loop3A_402 = arith.select %parallel_loop3A_384, %broadcast_in_dim3A_5, %broadcast_in_dim3A_3 : vector<16xi1>, vector<16xf32>
        %parallel_loop3A_403 = arith.addf %parallel_loop3A_364, %parallel_loop3A_402 : vector<16xf32>
        %parallel_loop3A_404 = arith.select %parallel_loop3A_387, %broadcast_in_dim3A_5, %broadcast_in_dim3A_3 : vector<16xi1>, vector<16xf32>
        %parallel_loop3A_405 = arith.addf %parallel_loop3A_365, %parallel_loop3A_404 : vector<16xf32>
        %parallel_loop3A_406 = arith.select %parallel_loop3A_390, %broadcast_in_dim3A_5, %broadcast_in_dim3A_3 : vector<16xi1>, vector<16xf32>
        %parallel_loop3A_407 = arith.addf %parallel_loop3A_366, %parallel_loop3A_406 : vector<16xf32>
        %parallel_loop3A_408 = arith.select %parallel_loop3A_393, %broadcast_in_dim3A_5, %broadcast_in_dim3A_3 : vector<16xi1>, vector<16xf32>
        %parallel_loop3A_409 = arith.addf %parallel_loop3A_367, %parallel_loop3A_408 : vector<16xf32>
        scf.yield %parallel_loop3A_395, %parallel_loop3A_397, %parallel_loop3A_399, %parallel_loop3A_401, %parallel_loop3A_403, %parallel_loop3A_405, %parallel_loop3A_407, %parallel_loop3A_409 : vector<16xf32>, vector<16xf32>, vector<16xf32>, vector<16xf32>, vector<16xf32>, vector<16xf32>, vector<16xf32>, vector<16xf32>
      } {sc.loop_unroll_factor = 5 : i64, sc.parallel_access}
      %dma_wait3A_264 = arith.constant 0 : i32
      %dma_wait3A_265 = arith.constant 0 : i32
      %dma_wait3A_266 = tpu.memref_slice %arg2[%dma_wait3A_264, %dma_wait3A_265] : memref<2x1600000xf32, #tpu.memory_space<hbm>> -> memref<2x2176xf32, #tpu.memory_space<hbm>>
      %dma_wait3A_267 = arith.constant 0 : i32
      %dma_wait3A_268 = arith.constant 0 : i32
      %dma_wait3A_269 = tpu.memref_slice %arg2[%dma_wait3A_267, %dma_wait3A_268] : memref<2x1600000xf32, #tpu.memory_space<hbm>> -> memref<2x2176xf32, #tpu.memory_space<hbm>>
      tpu.wait_dma2 semaphore(%arg16 : memref<!tpu.dma_semaphore, #tpu.memory_space<semaphore_mem>>) src(%dma_wait3A_269 : memref<2x2176xf32, #tpu.memory_space<hbm>>) dst(%arg8 : memref<2x2176xf32, #tpu.memory_space<vmem>>)
      %dma_wait3A_270 = arith.constant 0 : i32
      %dma_wait3A_271 = tpu.memref_slice %arg3[%dma_wait3A_270] : memref<1600000xi32, #tpu.memory_space<hbm>> -> memref<2000xi32, #tpu.memory_space<hbm>>
      %dma_wait3A_272 = arith.constant 0 : i32
      %dma_wait3A_273 = tpu.memref_slice %arg3[%dma_wait3A_272] : memref<1600000xi32, #tpu.memory_space<hbm>> -> memref<2000xi32, #tpu.memory_space<hbm>>
      tpu.wait_dma2 semaphore(%arg16 : memref<!tpu.dma_semaphore, #tpu.memory_space<semaphore_mem>>) src(%dma_wait3A_273 : memref<2000xi32, #tpu.memory_space<hbm>>) dst(%arg10 : memref<2000xi32, #tpu.memory_space<vmem>>)
      %dma_wait3A_274 = arith.constant 0 : i32
      %dma_wait3A_275 = tpu.memref_slice %arg4[%dma_wait3A_274] : memref<1600000xi32, #tpu.memory_space<hbm>> -> memref<2000xi32, #tpu.memory_space<hbm>>
      %dma_wait3A_276 = arith.constant 0 : i32
      %dma_wait3A_277 = tpu.memref_slice %arg4[%dma_wait3A_276] : memref<1600000xi32, #tpu.memory_space<hbm>> -> memref<2000xi32, #tpu.memory_space<hbm>>
      tpu.wait_dma2 semaphore(%arg16 : memref<!tpu.dma_semaphore, #tpu.memory_space<semaphore_mem>>) src(%dma_wait3A_277 : memref<2000xi32, #tpu.memory_space<hbm>>) dst(%arg12 : memref<2000xi32, #tpu.memory_space<vmem>>)
      %add3A_278 = arith.constant 2 : i32
      %add3A_279 = arith.addi %mul3A_170, %add3A_278 : i32
      %mul3A_280 = arith.constant 2000 : i32
      %mul3A_281 = arith.muli %add3A_279, %mul3A_280 : i32
      %add3A_282 = arith.addi %mul3A_2, %mul3A_281 : i32
      %jit3A_283 = arith.constant 128 : i32
      %div3A_284 = arith.divsi %add3A_282, %jit3A_283 : i32
      %sign3A_285 = arith.constant 0 : i32
      %sign3A_286 = arith.cmpi sgt, %add3A_282, %sign3A_285 : i32
      %sign3A_287 = arith.extui %sign3A_286 : i1 to i32
      %sign3A_288 = arith.constant 0 : i32
      %sign3A_289 = arith.cmpi slt, %add3A_282, %sign3A_288 : i32
      %sign3A_290 = arith.extui %sign3A_289 : i1 to i32
      %sign3A_291 = arith.subi %sign3A_287, %sign3A_290 : i32
      %sign3A_292 = arith.constant 0 : i32
      %sign3A_293 = arith.cmpi sgt, %jit3A_283, %sign3A_292 : i32
      %sign3A_294 = arith.extui %sign3A_293 : i1 to i32
      %sign3A_295 = arith.constant 0 : i32
      %sign3A_296 = arith.cmpi slt, %jit3A_283, %sign3A_295 : i32
      %sign3A_297 = arith.extui %sign3A_296 : i1 to i32
      %sign3A_298 = arith.subi %sign3A_294, %sign3A_297 : i32
      %ne3A_299 = arith.cmpi ne, %sign3A_291, %sign3A_298 : i32
      %rem3A_300 = arith.remsi %add3A_282, %jit3A_283 : i32
      %ne3A_301 = arith.constant 0 : i32
      %ne3A_302 = arith.cmpi ne, %rem3A_300, %ne3A_301 : i32
      %and3A_303 = arith.andi %ne3A_299, %ne3A_302 : i1
      %sub3A_304 = arith.constant 1 : i32
      %sub3A_305 = arith.subi %div3A_284, %sub3A_304 : i32
      %select_n3A_306 = arith.select %and3A_303, %sub3A_305, %div3A_284 : i32
      %mul3A_307 = arith.constant 128 : i32
      %mul3A_308 = arith.muli %select_n3A_306, %mul3A_307 : i32
      %min3A_309 = arith.constant 1597824 : i32
      %min3A_310 = arith.minsi %mul3A_308, %min3A_309 : i32
      %multiple_of3A_311 = tpu.assume_multiple %min3A_310, 128 : i32
      %dma_start3A_312 = arith.constant 0 : i32
      %dma_start3A_313 = tpu.memref_slice %arg2[%dma_start3A_312, %multiple_of3A_311] : memref<2x1600000xf32, #tpu.memory_space<hbm>> -> memref<2x2176xf32, #tpu.memory_space<hbm>>
      %dma_start3A_314 = arith.constant 0 : i32
      %dma_start3A_315 = tpu.memref_slice %arg2[%dma_start3A_314, %multiple_of3A_311] : memref<2x1600000xf32, #tpu.memory_space<hbm>> -> memref<2x2176xf32, #tpu.memory_space<hbm>>
      tpu.enqueue_dma source(%dma_start3A_315 : memref<2x2176xf32, #tpu.memory_space<hbm>>) target(%arg7 : memref<2x2176xf32, #tpu.memory_space<vmem>>) target_semaphore(%arg15 : memref<!tpu.dma_semaphore, #tpu.memory_space<semaphore_mem>>)
      %dma_start3A_316 = tpu.memref_slice %arg3[%add3A_282] : memref<1600000xi32, #tpu.memory_space<hbm>> -> memref<2000xi32, #tpu.memory_space<hbm>>
      %dma_start3A_317 = tpu.memref_slice %arg3[%add3A_282] : memref<1600000xi32, #tpu.memory_space<hbm>> -> memref<2000xi32, #tpu.memory_space<hbm>>
      tpu.enqueue_dma source(%dma_start3A_317 : memref<2000xi32, #tpu.memory_space<hbm>>) target(%arg9 : memref<2000xi32, #tpu.memory_space<vmem>>) target_semaphore(%arg15 : memref<!tpu.dma_semaphore, #tpu.memory_space<semaphore_mem>>)
      %dma_start3A_318 = tpu.memref_slice %arg4[%add3A_282] : memref<1600000xi32, #tpu.memory_space<hbm>> -> memref<2000xi32, #tpu.memory_space<hbm>>
      %dma_start3A_319 = tpu.memref_slice %arg4[%add3A_282] : memref<1600000xi32, #tpu.memory_space<hbm>> -> memref<2000xi32, #tpu.memory_space<hbm>>
      tpu.enqueue_dma source(%dma_start3A_319 : memref<2000xi32, #tpu.memory_space<hbm>>) target(%arg11 : memref<2000xi32, #tpu.memory_space<vmem>>) target_semaphore(%arg15 : memref<!tpu.dma_semaphore, #tpu.memory_space<semaphore_mem>>)
      %add3A_320 = arith.constant 1 : i32
      %add3A_321 = arith.addi %mul3A_170, %add3A_320 : i32
      %mul3A_322 = arith.constant 2000 : i32
      %mul3A_323 = arith.muli %add3A_321, %mul3A_322 : i32
      %add3A_324 = arith.addi %mul3A_2, %mul3A_323 : i32
      %jit3A_325 = arith.constant 128 : i32
      %div3A_326 = arith.divsi %add3A_324, %jit3A_325 : i32
      %sign3A_327 = arith.constant 0 : i32
      %sign3A_328 = arith.cmpi sgt, %add3A_324, %sign3A_327 : i32
      %sign3A_329 = arith.extui %sign3A_328 : i1 to i32
      %sign3A_330 = arith.constant 0 : i32
      %sign3A_331 = arith.cmpi slt, %add3A_324, %sign3A_330 : i32
      %sign3A_332 = arith.extui %sign3A_331 : i1 to i32
      %sign3A_333 = arith.subi %sign3A_329, %sign3A_332 : i32
      %sign3A_334 = arith.constant 0 : i32
      %sign3A_335 = arith.cmpi sgt, %jit3A_325, %sign3A_334 : i32
      %sign3A_336 = arith.extui %sign3A_335 : i1 to i32
      %sign3A_337 = arith.constant 0 : i32
      %sign3A_338 = arith.cmpi slt, %jit3A_325, %sign3A_337 : i32
      %sign3A_339 = arith.extui %sign3A_338 : i1 to i32
      %sign3A_340 = arith.subi %sign3A_336, %sign3A_339 : i32
      %ne3A_341 = arith.cmpi ne, %sign3A_333, %sign3A_340 : i32
      %rem3A_342 = arith.remsi %add3A_324, %jit3A_325 : i32
      %ne3A_343 = arith.constant 0 : i32
      %ne3A_344 = arith.cmpi ne, %rem3A_342, %ne3A_343 : i32
      %and3A_345 = arith.andi %ne3A_341, %ne3A_344 : i1
      %sub3A_346 = arith.constant 1 : i32
      %sub3A_347 = arith.subi %div3A_326, %sub3A_346 : i32
      %select_n3A_348 = arith.select %and3A_345, %sub3A_347, %div3A_326 : i32
      %mul3A_349 = arith.constant 128 : i32
      %mul3A_350 = arith.muli %select_n3A_348, %mul3A_349 : i32
      %min3A_351 = arith.constant 1597824 : i32
      %min3A_352 = arith.minsi %mul3A_350, %min3A_351 : i32
      %multiple_of3A_353 = tpu.assume_multiple %min3A_352, 128 : i32
      %sub3A_354 = arith.subi %add3A_324, %multiple_of3A_353 : i32
      %parallel_loop3A_355 = arith.constant 0 : i32
      %parallel_loop3A_356 = arith.constant 125 : i32
      %parallel_loop3A_357 = arith.constant 1 : i32
      %parallel_loop3A_358:8 = scf.for %parallel_loop3A_359 = %parallel_loop3A_355 to %parallel_loop3A_356 step %parallel_loop3A_357 iter_args(%parallel_loop3A_360 = %parallel_loop3A_263#0, %parallel_loop3A_361 = %parallel_loop3A_263#1, %parallel_loop3A_362 = %parallel_loop3A_263#2, %parallel_loop3A_363 = %parallel_loop3A_263#3, %parallel_loop3A_364 = %parallel_loop3A_263#4, %parallel_loop3A_365 = %parallel_loop3A_263#5, %parallel_loop3A_366 = %parallel_loop3A_263#6, %parallel_loop3A_367 = %parallel_loop3A_263#7) -> (vector<16xf32>, vector<16xf32>, vector<16xf32>, vector<16xf32>, vector<16xf32>, vector<16xf32>, vector<16xf32>, vector<16xf32>)  : i32 {
        %parallel_loop3A_368 = arith.constant 16 : i32
        %parallel_loop3A_369 = arith.muli %parallel_loop3A_359, %parallel_loop3A_368 : i32
        %parallel_loop3A_370 = arith.index_cast %parallel_loop3A_369 : i32 to index
        %parallel_loop3A_371 = tpu.vector_load %arg10[%parallel_loop3A_370] {strides = array<i32>} : memref<2000xi32, #tpu.memory_space<vmem>>, vector<16xi32>,
        %parallel_loop3A_372 = arith.index_cast %parallel_loop3A_369 : i32 to index
        %parallel_loop3A_373 = tpu.vector_load %arg12[%parallel_loop3A_372] {strides = array<i32>} : memref<2000xi32, #tpu.memory_space<vmem>>, vector<16xi32>,
        %parallel_loop3A_374 = arith.addi %sub3A_354, %parallel_loop3A_369 : i32
        %parallel_loop3A_375 = vector.broadcast %parallel_loop3A_374 : i32 to vector<16xi32>
        %parallel_loop3A_376 = arith.addi %parallel_loop3A_375, %iota3A : vector<16xi32>
        %parallel_loop3A_377 = tpu.vector_load_idx %arg8[%parallel_loop3A_371, %parallel_loop3A_376] : memref<2x2176xf32, #tpu.memory_space<vmem>>[vector<16xi32>, vector<16xi32>], vector<16xf32>,
        %parallel_loop3A_378 = arith.constant 1.000000e+00 : f32
        %parallel_loop3A_379 = vector.broadcast %parallel_loop3A_378 : f32 to vector<16xf32>
        %parallel_loop3A_380 = arith.subf %parallel_loop3A_379, %parallel_loop3A_377 : vector<16xf32>
        %parallel_loop3A_381 = math.absf %parallel_loop3A_380 : vector<16xf32>
        %parallel_loop3A_382 = arith.constant 0 : i32
        %parallel_loop3A_383 = vector.broadcast %parallel_loop3A_382 : i32 to vector<16xi32>
        %parallel_loop3A_384 = arith.cmpi eq, %parallel_loop3A_373, %parallel_loop3A_383 : vector<16xi32>
        %parallel_loop3A_385 = arith.constant 1 : i32
        %parallel_loop3A_386 = vector.broadcast %parallel_loop3A_385 : i32 to vector<16xi32>
        %parallel_loop3A_387 = arith.cmpi eq, %parallel_loop3A_373, %parallel_loop3A_386 : vector<16xi32>
        %parallel_loop3A_388 = arith.constant 2 : i32
        %parallel_loop3A_389 = vector.broadcast %parallel_loop3A_388 : i32 to vector<16xi32>
        %parallel_loop3A_390 = arith.cmpi eq, %parallel_loop3A_373, %parallel_loop3A_389 : vector<16xi32>
        %parallel_loop3A_391 = arith.constant 3 : i32
        %parallel_loop3A_392 = vector.broadcast %parallel_loop3A_391 : i32 to vector<16xi32>
        %parallel_loop3A_393 = arith.cmpi eq, %parallel_loop3A_373, %parallel_loop3A_392 : vector<16xi32>
        %parallel_loop3A_394 = arith.select %parallel_loop3A_384, %parallel_loop3A_381, %broadcast_in_dim3A_3 : vector<16xi1>, vector<16xf32>
        %parallel_loop3A_395 = arith.addf %parallel_loop3A_360, %parallel_loop3A_394 : vector<16xf32>
        %parallel_loop3A_396 = arith.select %parallel_loop3A_387, %parallel_loop3A_381, %broadcast_in_dim3A_3 : vector<16xi1>, vector<16xf32>
        %parallel_loop3A_397 = arith.addf %parallel_loop3A_361, %parallel_loop3A_396 : vector<16xf32>
        %parallel_loop3A_398 = arith.select %parallel_loop3A_390, %parallel_loop3A_381, %broadcast_in_dim3A_3 : vector<16xi1>, vector<16xf32>
        %parallel_loop3A_399 = arith.addf %parallel_loop3A_362, %parallel_loop3A_398 : vector<16xf32>
        %parallel_loop3A_400 = arith.select %parallel_loop3A_393, %parallel_loop3A_381, %broadcast_in_dim3A_3 : vector<16xi1>, vector<16xf32>
        %parallel_loop3A_401 = arith.addf %parallel_loop3A_363, %parallel_loop3A_400 : vector<16xf32>
        %parallel_loop3A_402 = arith.select %parallel_loop3A_384, %broadcast_in_dim3A_5, %broadcast_in_dim3A_3 : vector<16xi1>, vector<16xf32>
        %parallel_loop3A_403 = arith.addf %parallel_loop3A_364, %parallel_loop3A_402 : vector<16xf32>
        %parallel_loop3A_404 = arith.select %parallel_loop3A_387, %broadcast_in_dim3A_5, %broadcast_in_dim3A_3 : vector<16xi1>, vector<16xf32>
        %parallel_loop3A_405 = arith.addf %parallel_loop3A_365, %parallel_loop3A_404 : vector<16xf32>
        %parallel_loop3A_406 = arith.select %parallel_loop3A_390, %broadcast_in_dim3A_5, %broadcast_in_dim3A_3 : vector<16xi1>, vector<16xf32>
        %parallel_loop3A_407 = arith.addf %parallel_loop3A_366, %parallel_loop3A_406 : vector<16xf32>
        %parallel_loop3A_408 = arith.select %parallel_loop3A_393, %broadcast_in_dim3A_5, %broadcast_in_dim3A_3 : vector<16xi1>, vector<16xf32>
        %parallel_loop3A_409 = arith.addf %parallel_loop3A_367, %parallel_loop3A_408 : vector<16xf32>
        scf.yield %parallel_loop3A_395, %parallel_loop3A_397, %parallel_loop3A_399, %parallel_loop3A_401, %parallel_loop3A_403, %parallel_loop3A_405, %parallel_loop3A_407, %parallel_loop3A_409 : vector<16xf32>, vector<16xf32>, vector<16xf32>, vector<16xf32>, vector<16xf32>, vector<16xf32>, vector<16xf32>, vector<16xf32>
      } {sc.loop_unroll_factor = 5 : i64, sc.parallel_access}
      scf.yield %parallel_loop3A_358#0, %parallel_loop3A_358#1, %parallel_loop3A_358#2, %parallel_loop3A_358#3, %parallel_loop3A_358#4, %parallel_loop3A_358#5, %parallel_loop3A_358#6, %parallel_loop3A_358#7 : vector<16xf32>, vector<16xf32>, vector<16xf32>, vector<16xf32>, vector<16xf32>, vector<16xf32>, vector<16xf32>, vector<16xf32>
    }
    %scan3A_38 = arith.constant 12 : i32
    %dma_wait3A = arith.constant 0 : i32
    %dma_wait3A_39 = arith.constant 0 : i32
    %dma_wait3A_40 = tpu.memref_slice %arg2[%dma_wait3A, %dma_wait3A_39] : memref<2x1600000xf32, #tpu.memory_space<hbm>> -> memref<2x2176xf32, #tpu.memory_space<hbm>>
    %dma_wait3A_41 = arith.constant 0 : i32
    %dma_wait3A_42 = arith.constant 0 : i32
    %dma_wait3A_43 = tpu.memref_slice %arg2[%dma_wait3A_41, %dma_wait3A_42] : memref<2x1600000xf32, #tpu.memory_space<hbm>> -> memref<2x2176xf32, #tpu.memory_space<hbm>>
    tpu.wait_dma2 semaphore(%arg15 : memref<!tpu.dma_semaphore, #tpu.memory_space<semaphore_mem>>) src(%dma_wait3A_43 : memref<2x2176xf32, #tpu.memory_space<hbm>>) dst(%arg7 : memref<2x2176xf32, #tpu.memory_space<vmem>>)
    %dma_wait3A_44 = arith.constant 0 : i32
    %dma_wait3A_45 = tpu.memref_slice %arg3[%dma_wait3A_44] : memref<1600000xi32, #tpu.memory_space<hbm>> -> memref<2000xi32, #tpu.memory_space<hbm>>
    %dma_wait3A_46 = arith.constant 0 : i32
    %dma_wait3A_47 = tpu.memref_slice %arg3[%dma_wait3A_46] : memref<1600000xi32, #tpu.memory_space<hbm>> -> memref<2000xi32, #tpu.memory_space<hbm>>
    tpu.wait_dma2 semaphore(%arg15 : memref<!tpu.dma_semaphore, #tpu.memory_space<semaphore_mem>>) src(%dma_wait3A_47 : memref<2000xi32, #tpu.memory_space<hbm>>) dst(%arg9 : memref<2000xi32, #tpu.memory_space<vmem>>)
    %dma_wait3A_48 = arith.constant 0 : i32
    %dma_wait3A_49 = tpu.memref_slice %arg4[%dma_wait3A_48] : memref<1600000xi32, #tpu.memory_space<hbm>> -> memref<2000xi32, #tpu.memory_space<hbm>>
    %dma_wait3A_50 = arith.constant 0 : i32
    %dma_wait3A_51 = tpu.memref_slice %arg4[%dma_wait3A_50] : memref<1600000xi32, #tpu.memory_space<hbm>> -> memref<2000xi32, #tpu.memory_space<hbm>>
    tpu.wait_dma2 semaphore(%arg15 : memref<!tpu.dma_semaphore, #tpu.memory_space<semaphore_mem>>) src(%dma_wait3A_51 : memref<2000xi32, #tpu.memory_space<hbm>>) dst(%arg11 : memref<2000xi32, #tpu.memory_space<vmem>>)
    %add3A_52 = arith.constant 48000 : i32
    %add3A_53 = arith.addi %mul3A_2, %add3A_52 : i32
    %jit3A_54 = arith.constant 128 : i32
    %div3A_55 = arith.divsi %add3A_53, %jit3A_54 : i32
    %sign3A_56 = arith.constant 0 : i32
    %sign3A_57 = arith.cmpi sgt, %add3A_53, %sign3A_56 : i32
    %sign3A_58 = arith.extui %sign3A_57 : i1 to i32
    %sign3A_59 = arith.constant 0 : i32
    %sign3A_60 = arith.cmpi slt, %add3A_53, %sign3A_59 : i32
    %sign3A_61 = arith.extui %sign3A_60 : i1 to i32
    %sign3A_62 = arith.subi %sign3A_58, %sign3A_61 : i32
    %sign3A_63 = arith.constant 0 : i32
    %sign3A_64 = arith.cmpi sgt, %jit3A_54, %sign3A_63 : i32
    %sign3A_65 = arith.extui %sign3A_64 : i1 to i32
    %sign3A_66 = arith.constant 0 : i32
    %sign3A_67 = arith.cmpi slt, %jit3A_54, %sign3A_66 : i32
    %sign3A_68 = arith.extui %sign3A_67 : i1 to i32
    %sign3A_69 = arith.subi %sign3A_65, %sign3A_68 : i32
    %ne3A_70 = arith.cmpi ne, %sign3A_62, %sign3A_69 : i32
    %rem3A_71 = arith.remsi %add3A_53, %jit3A_54 : i32
    %ne3A_72 = arith.constant 0 : i32
    %ne3A_73 = arith.cmpi ne, %rem3A_71, %ne3A_72 : i32
    %and3A_74 = arith.andi %ne3A_70, %ne3A_73 : i1
    %sub3A_75 = arith.constant 1 : i32
    %sub3A_76 = arith.subi %div3A_55, %sub3A_75 : i32
    %select_n3A_77 = arith.select %and3A_74, %sub3A_76, %div3A_55 : i32
    %mul3A_78 = arith.constant 128 : i32
    %mul3A_79 = arith.muli %select_n3A_77, %mul3A_78 : i32
    %min3A_80 = arith.constant 1597824 : i32
    %min3A_81 = arith.minsi %mul3A_79, %min3A_80 : i32
    %multiple_of3A_82 = tpu.assume_multiple %min3A_81, 128 : i32
    %sub3A_83 = arith.subi %add3A_53, %multiple_of3A_82 : i32
    %parallel_loop3A = arith.constant 0 : i32
    %parallel_loop3A_84 = arith.constant 125 : i32
    %parallel_loop3A_85 = arith.constant 1 : i32
    %parallel_loop3A_86:8 = scf.for %parallel_loop3A_160 = %parallel_loop3A to %parallel_loop3A_84 step %parallel_loop3A_85 iter_args(%parallel_loop3A_161 = %scan3A_37#0, %parallel_loop3A_162 = %scan3A_37#1, %parallel_loop3A_163 = %scan3A_37#2, %parallel_loop3A_164 = %scan3A_37#3, %parallel_loop3A_165 = %scan3A_37#4, %parallel_loop3A_166 = %scan3A_37#5, %parallel_loop3A_167 = %scan3A_37#6, %parallel_loop3A_168 = %scan3A_37#7) -> (vector<16xf32>, vector<16xf32>, vector<16xf32>, vector<16xf32>, vector<16xf32>, vector<16xf32>, vector<16xf32>, vector<16xf32>)  : i32 {
      %parallel_loop3A_169 = arith.constant 16 : i32
      %parallel_loop3A_170 = arith.muli %parallel_loop3A_160, %parallel_loop3A_169 : i32
      %parallel_loop3A_171 = arith.index_cast %parallel_loop3A_170 : i32 to index
      %parallel_loop3A_172 = tpu.vector_load %arg9[%parallel_loop3A_171] {strides = array<i32>} : memref<2000xi32, #tpu.memory_space<vmem>>, vector<16xi32>,
      %parallel_loop3A_173 = arith.index_cast %parallel_loop3A_170 : i32 to index
      %parallel_loop3A_174 = tpu.vector_load %arg11[%parallel_loop3A_173] {strides = array<i32>} : memref<2000xi32, #tpu.memory_space<vmem>>, vector<16xi32>,
      %parallel_loop3A_175 = arith.addi %sub3A_83, %parallel_loop3A_170 : i32
      %parallel_loop3A_176 = vector.broadcast %parallel_loop3A_175 : i32 to vector<16xi32>
      %parallel_loop3A_177 = arith.addi %parallel_loop3A_176, %iota3A : vector<16xi32>
      %parallel_loop3A_178 = tpu.vector_load_idx %arg7[%parallel_loop3A_172, %parallel_loop3A_177] : memref<2x2176xf32, #tpu.memory_space<vmem>>[vector<16xi32>, vector<16xi32>], vector<16xf32>,
      %parallel_loop3A_179 = arith.constant 1.000000e+00 : f32
      %parallel_loop3A_180 = vector.broadcast %parallel_loop3A_179 : f32 to vector<16xf32>
      %parallel_loop3A_181 = arith.subf %parallel_loop3A_180, %parallel_loop3A_178 : vector<16xf32>
      %parallel_loop3A_182 = math.absf %parallel_loop3A_181 : vector<16xf32>
      %parallel_loop3A_183 = arith.constant 0 : i32
      %parallel_loop3A_184 = vector.broadcast %parallel_loop3A_183 : i32 to vector<16xi32>
      %parallel_loop3A_185 = arith.cmpi eq, %parallel_loop3A_174, %parallel_loop3A_184 : vector<16xi32>
      %parallel_loop3A_186 = arith.constant 1 : i32
      %parallel_loop3A_187 = vector.broadcast %parallel_loop3A_186 : i32 to vector<16xi32>
      %parallel_loop3A_188 = arith.cmpi eq, %parallel_loop3A_174, %parallel_loop3A_187 : vector<16xi32>
      %parallel_loop3A_189 = arith.constant 2 : i32
      %parallel_loop3A_190 = vector.broadcast %parallel_loop3A_189 : i32 to vector<16xi32>
      %parallel_loop3A_191 = arith.cmpi eq, %parallel_loop3A_174, %parallel_loop3A_190 : vector<16xi32>
      %parallel_loop3A_192 = arith.constant 3 : i32
      %parallel_loop3A_193 = vector.broadcast %parallel_loop3A_192 : i32 to vector<16xi32>
      %parallel_loop3A_194 = arith.cmpi eq, %parallel_loop3A_174, %parallel_loop3A_193 : vector<16xi32>
      %parallel_loop3A_195 = arith.select %parallel_loop3A_185, %parallel_loop3A_182, %broadcast_in_dim3A_3 : vector<16xi1>, vector<16xf32>
      %parallel_loop3A_196 = arith.addf %parallel_loop3A_161, %parallel_loop3A_195 : vector<16xf32>
      %parallel_loop3A_197 = arith.select %parallel_loop3A_188, %parallel_loop3A_182, %broadcast_in_dim3A_3 : vector<16xi1>, vector<16xf32>
      %parallel_loop3A_198 = arith.addf %parallel_loop3A_162, %parallel_loop3A_197 : vector<16xf32>
      %parallel_loop3A_199 = arith.select %parallel_loop3A_191, %parallel_loop3A_182, %broadcast_in_dim3A_3 : vector<16xi1>, vector<16xf32>
      %parallel_loop3A_200 = arith.addf %parallel_loop3A_163, %parallel_loop3A_199 : vector<16xf32>
      %parallel_loop3A_201 = arith.select %parallel_loop3A_194, %parallel_loop3A_182, %broadcast_in_dim3A_3 : vector<16xi1>, vector<16xf32>
      %parallel_loop3A_202 = arith.addf %parallel_loop3A_164, %parallel_loop3A_201 : vector<16xf32>
      %parallel_loop3A_203 = arith.select %parallel_loop3A_185, %broadcast_in_dim3A_5, %broadcast_in_dim3A_3 : vector<16xi1>, vector<16xf32>
      %parallel_loop3A_204 = arith.addf %parallel_loop3A_165, %parallel_loop3A_203 : vector<16xf32>
      %parallel_loop3A_205 = arith.select %parallel_loop3A_188, %broadcast_in_dim3A_5, %broadcast_in_dim3A_3 : vector<16xi1>, vector<16xf32>
      %parallel_loop3A_206 = arith.addf %parallel_loop3A_166, %parallel_loop3A_205 : vector<16xf32>
      %parallel_loop3A_207 = arith.select %parallel_loop3A_191, %broadcast_in_dim3A_5, %broadcast_in_dim3A_3 : vector<16xi1>, vector<16xf32>
      %parallel_loop3A_208 = arith.addf %parallel_loop3A_167, %parallel_loop3A_207 : vector<16xf32>
      %parallel_loop3A_209 = arith.select %parallel_loop3A_194, %broadcast_in_dim3A_5, %broadcast_in_dim3A_3 : vector<16xi1>, vector<16xf32>
      %parallel_loop3A_210 = arith.addf %parallel_loop3A_168, %parallel_loop3A_209 : vector<16xf32>
      scf.yield %parallel_loop3A_196, %parallel_loop3A_198, %parallel_loop3A_200, %parallel_loop3A_202, %parallel_loop3A_204, %parallel_loop3A_206, %parallel_loop3A_208, %parallel_loop3A_210 : vector<16xf32>, vector<16xf32>, vector<16xf32>, vector<16xf32>, vector<16xf32>, vector<16xf32>, vector<16xf32>, vector<16xf32>
    } {sc.loop_unroll_factor = 5 : i64, sc.parallel_access}
    %eq3A = arith.constant 0 : i32
    %eq3A_87 = vector.broadcast %eq3A : i32 to vector<16xi32>
    %eq3A_88 = arith.cmpi eq, %iota3A, %eq3A_87 : vector<16xi32>
    %reduce_sum3A = arith.constant true
    %reduce_sum3A_89 = vector.broadcast %reduce_sum3A : i1 to vector<16xi1>
    %reduce_sum3A_90 = tpu.scan <sum>, %parallel_loop3A_86#0 masked %reduce_sum3A_89 : vector<16xf32>, vector<16xi1> -> vector<16xf32>
    %reduce_sum3A_91 = vector.extract %reduce_sum3A_90[15] : f32 from vector<16xf32>
    %broadcast_in_dim3A_92 = vector.broadcast %reduce_sum3A_91 : f32 to vector<16xf32>
    %select_n3A_93 = arith.select %eq3A_88, %broadcast_in_dim3A_92, %broadcast_in_dim3A_3 : vector<16xi1>, vector<16xf32>
    %eq3A_94 = arith.constant 0 : i32
    %eq3A_95 = vector.broadcast %eq3A_94 : i32 to vector<16xi32>
    %eq3A_96 = arith.cmpi eq, %iota3A, %eq3A_95 : vector<16xi32>
    %reduce_sum3A_97 = arith.constant true
    %reduce_sum3A_98 = vector.broadcast %reduce_sum3A_97 : i1 to vector<16xi1>
    %reduce_sum3A_99 = tpu.scan <sum>, %parallel_loop3A_86#4 masked %reduce_sum3A_98 : vector<16xf32>, vector<16xi1> -> vector<16xf32>
    %reduce_sum3A_100 = vector.extract %reduce_sum3A_99[15] : f32 from vector<16xf32>
    %broadcast_in_dim3A_101 = vector.broadcast %reduce_sum3A_100 : f32 to vector<16xf32>
    %select_n3A_102 = arith.select %eq3A_96, %broadcast_in_dim3A_101, %broadcast_in_dim3A_3 : vector<16xi1>, vector<16xf32>
    %eq3A_103 = arith.constant 1 : i32
    %eq3A_104 = vector.broadcast %eq3A_103 : i32 to vector<16xi32>
    %eq3A_105 = arith.cmpi eq, %iota3A, %eq3A_104 : vector<16xi32>
    %reduce_sum3A_106 = arith.constant true
    %reduce_sum3A_107 = vector.broadcast %reduce_sum3A_106 : i1 to vector<16xi1>
    %reduce_sum3A_108 = tpu.scan <sum>, %parallel_loop3A_86#1 masked %reduce_sum3A_107 : vector<16xf32>, vector<16xi1> -> vector<16xf32>
    %reduce_sum3A_109 = vector.extract %reduce_sum3A_108[15] : f32 from vector<16xf32>
    %broadcast_in_dim3A_110 = vector.broadcast %reduce_sum3A_109 : f32 to vector<16xf32>
    %select_n3A_111 = arith.select %eq3A_105, %broadcast_in_dim3A_110, %select_n3A_93 : vector<16xi1>, vector<16xf32>
    %eq3A_112 = arith.constant 1 : i32
    %eq3A_113 = vector.broadcast %eq3A_112 : i32 to vector<16xi32>
    %eq3A_114 = arith.cmpi eq, %iota3A, %eq3A_113 : vector<16xi32>
    %reduce_sum3A_115 = arith.constant true
    %reduce_sum3A_116 = vector.broadcast %reduce_sum3A_115 : i1 to vector<16xi1>
    %reduce_sum3A_117 = tpu.scan <sum>, %parallel_loop3A_86#5 masked %reduce_sum3A_116 : vector<16xf32>, vector<16xi1> -> vector<16xf32>
    %reduce_sum3A_118 = vector.extract %reduce_sum3A_117[15] : f32 from vector<16xf32>
    %broadcast_in_dim3A_119 = vector.broadcast %reduce_sum3A_118 : f32 to vector<16xf32>
    %select_n3A_120 = arith.select %eq3A_114, %broadcast_in_dim3A_119, %select_n3A_102 : vector<16xi1>, vector<16xf32>
    %eq3A_121 = arith.constant 2 : i32
    %eq3A_122 = vector.broadcast %eq3A_121 : i32 to vector<16xi32>
    %eq3A_123 = arith.cmpi eq, %iota3A, %eq3A_122 : vector<16xi32>
    %reduce_sum3A_124 = arith.constant true
    %reduce_sum3A_125 = vector.broadcast %reduce_sum3A_124 : i1 to vector<16xi1>
    %reduce_sum3A_126 = tpu.scan <sum>, %parallel_loop3A_86#2 masked %reduce_sum3A_125 : vector<16xf32>, vector<16xi1> -> vector<16xf32>
    %reduce_sum3A_127 = vector.extract %reduce_sum3A_126[15] : f32 from vector<16xf32>
    %broadcast_in_dim3A_128 = vector.broadcast %reduce_sum3A_127 : f32 to vector<16xf32>
    %select_n3A_129 = arith.select %eq3A_123, %broadcast_in_dim3A_128, %select_n3A_111 : vector<16xi1>, vector<16xf32>
    %eq3A_130 = arith.constant 2 : i32
    %eq3A_131 = vector.broadcast %eq3A_130 : i32 to vector<16xi32>
    %eq3A_132 = arith.cmpi eq, %iota3A, %eq3A_131 : vector<16xi32>
    %reduce_sum3A_133 = arith.constant true
    %reduce_sum3A_134 = vector.broadcast %reduce_sum3A_133 : i1 to vector<16xi1>
    %reduce_sum3A_135 = tpu.scan <sum>, %parallel_loop3A_86#6 masked %reduce_sum3A_134 : vector<16xf32>, vector<16xi1> -> vector<16xf32>
    %reduce_sum3A_136 = vector.extract %reduce_sum3A_135[15] : f32 from vector<16xf32>
    %broadcast_in_dim3A_137 = vector.broadcast %reduce_sum3A_136 : f32 to vector<16xf32>
    %select_n3A_138 = arith.select %eq3A_132, %broadcast_in_dim3A_137, %select_n3A_120 : vector<16xi1>, vector<16xf32>
    %eq3A_139 = arith.constant 3 : i32
    %eq3A_140 = vector.broadcast %eq3A_139 : i32 to vector<16xi32>
    %eq3A_141 = arith.cmpi eq, %iota3A, %eq3A_140 : vector<16xi32>
    %reduce_sum3A_142 = arith.constant true
    %reduce_sum3A_143 = vector.broadcast %reduce_sum3A_142 : i1 to vector<16xi1>
    %reduce_sum3A_144 = tpu.scan <sum>, %parallel_loop3A_86#3 masked %reduce_sum3A_143 : vector<16xf32>, vector<16xi1> -> vector<16xf32>
    %reduce_sum3A_145 = vector.extract %reduce_sum3A_144[15] : f32 from vector<16xf32>
    %broadcast_in_dim3A_146 = vector.broadcast %reduce_sum3A_145 : f32 to vector<16xf32>
    %select_n3A_147 = arith.select %eq3A_141, %broadcast_in_dim3A_146, %select_n3A_129 : vector<16xi1>, vector<16xf32>
    %eq3A_148 = arith.constant 3 : i32
    %eq3A_149 = vector.broadcast %eq3A_148 : i32 to vector<16xi32>
    %eq3A_150 = arith.cmpi eq, %iota3A, %eq3A_149 : vector<16xi32>
    %reduce_sum3A_151 = arith.constant true
    %reduce_sum3A_152 = vector.broadcast %reduce_sum3A_151 : i1 to vector<16xi1>
    %reduce_sum3A_153 = tpu.scan <sum>, %parallel_loop3A_86#7 masked %reduce_sum3A_152 : vector<16xf32>, vector<16xi1> -> vector<16xf32>
    %reduce_sum3A_154 = vector.extract %reduce_sum3A_153[15] : f32 from vector<16xf32>
    %broadcast_in_dim3A_155 = vector.broadcast %reduce_sum3A_154 : f32 to vector<16xf32>
    %select_n3A_156 = arith.select %eq3A_150, %broadcast_in_dim3A_155, %select_n3A_138 : vector<16xi1>, vector<16xf32>
    %swap3A = arith.constant 0 : index
    %swap3A_157 = tpu.vector_load %arg13[%swap3A] {strides = array<i32>} : memref<16xf32, #tpu.memory_space<vmem>>, vector<16xf32>,
    tpu.vector_store %arg13[%swap3A], %select_n3A_147 {strides = array<i32>} : memref<16xf32, #tpu.memory_space<vmem>>, vector<16xf32>,
    %swap3A_158 = arith.constant 0 : index
    %swap3A_159 = tpu.vector_load %arg14[%swap3A_158] {strides = array<i32>} : memref<16xf32, #tpu.memory_space<vmem>>, vector<16xf32>,
    tpu.vector_store %arg14[%swap3A_158], %select_n3A_156 {strides = array<i32>} : memref<16xf32, #tpu.memory_space<vmem>>, vector<16xf32>,
    "tpu.region"() ({
      %run_scoped3A = tpu.sem_alloc : memref<!tpu.dma_semaphore, #tpu.memory_space<semaphore_mem>>
      %dma_start3A_160 = arith.constant 0 : i32
      %dma_start3A_161 = tpu.memref_slice %arg5[%add3A, %dma_start3A_160] : memref<32x16xf32, #tpu.memory_space<hbm>> -> memref<1x16xf32, #tpu.memory_space<hbm>>
      %dma_start3A_162 = tpu.memref_squeeze %dma_start3A_161 : memref<1x16xf32, #tpu.memory_space<hbm>> -> memref<16xf32, #tpu.memory_space<hbm>>
      %dma_start3A_163 = arith.constant 0 : i32
      %dma_start3A_164 = tpu.memref_slice %arg5[%add3A, %dma_start3A_163] : memref<32x16xf32, #tpu.memory_space<hbm>> -> memref<1x16xf32, #tpu.memory_space<hbm>>
      %dma_start3A_165 = tpu.memref_squeeze %dma_start3A_164 : memref<1x16xf32, #tpu.memory_space<hbm>> -> memref<16xf32, #tpu.memory_space<hbm>>
      tpu.enqueue_dma source(%arg13 : memref<16xf32, #tpu.memory_space<vmem>>) target(%dma_start3A_165 : memref<16xf32, #tpu.memory_space<hbm>>) target_semaphore(%run_scoped3A : memref<!tpu.dma_semaphore, #tpu.memory_space<semaphore_mem>>)
      %dma_wait3A_166 = arith.constant 0 : i32
      %dma_wait3A_167 = tpu.memref_slice %arg5[%add3A, %dma_wait3A_166] : memref<32x16xf32, #tpu.memory_space<hbm>> -> memref<1x16xf32, #tpu.memory_space<hbm>>
      %dma_wait3A_168 = tpu.memref_squeeze %dma_wait3A_167 : memref<1x16xf32, #tpu.memory_space<hbm>> -> memref<16xf32, #tpu.memory_space<hbm>>
      %dma_wait3A_169 = arith.constant 0 : i32
      %dma_wait3A_170 = tpu.memref_slice %arg5[%add3A, %dma_wait3A_169] : memref<32x16xf32, #tpu.memory_space<hbm>> -> memref<1x16xf32, #tpu.memory_space<hbm>>
      %dma_wait3A_171 = tpu.memref_squeeze %dma_wait3A_170 : memref<1x16xf32, #tpu.memory_space<hbm>> -> memref<16xf32, #tpu.memory_space<hbm>>
      tpu.wait_dma2 semaphore(%run_scoped3A : memref<!tpu.dma_semaphore, #tpu.memory_space<semaphore_mem>>) src(%arg13 : memref<16xf32, #tpu.memory_space<vmem>>) dst(%dma_wait3A_171 : memref<16xf32, #tpu.memory_space<hbm>>)
      tpu.yield
    }) : () -> ()
    "tpu.region"() ({
      %run_scoped3A = tpu.sem_alloc : memref<!tpu.dma_semaphore, #tpu.memory_space<semaphore_mem>>
      %dma_start3A_160 = arith.constant 0 : i32
      %dma_start3A_161 = tpu.memref_slice %arg6[%add3A, %dma_start3A_160] : memref<32x16xf32, #tpu.memory_space<hbm>> -> memref<1x16xf32, #tpu.memory_space<hbm>>
      %dma_start3A_162 = tpu.memref_squeeze %dma_start3A_161 : memref<1x16xf32, #tpu.memory_space<hbm>> -> memref<16xf32, #tpu.memory_space<hbm>>
      %dma_start3A_163 = arith.constant 0 : i32
      %dma_start3A_164 = tpu.memref_slice %arg6[%add3A, %dma_start3A_163] : memref<32x16xf32, #tpu.memory_space<hbm>> -> memref<1x16xf32, #tpu.memory_space<hbm>>
      %dma_start3A_165 = tpu.memref_squeeze %dma_start3A_164 : memref<1x16xf32, #tpu.memory_space<hbm>> -> memref<16xf32, #tpu.memory_space<hbm>>
      tpu.enqueue_dma source(%arg14 : memref<16xf32, #tpu.memory_space<vmem>>) target(%dma_start3A_165 : memref<16xf32, #tpu.memory_space<hbm>>) target_semaphore(%run_scoped3A : memref<!tpu.dma_semaphore, #tpu.memory_space<semaphore_mem>>)
      %dma_wait3A_166 = arith.constant 0 : i32
      %dma_wait3A_167 = tpu.memref_slice %arg6[%add3A, %dma_wait3A_166] : memref<32x16xf32, #tpu.memory_space<hbm>> -> memref<1x16xf32, #tpu.memory_space<hbm>>
      %dma_wait3A_168 = tpu.memref_squeeze %dma_wait3A_167 : memref<1x16xf32, #tpu.memory_space<hbm>> -> memref<16xf32, #tpu.memory_space<hbm>>
      %dma_wait3A_169 = arith.constant 0 : i32
      %dma_wait3A_170 = tpu.memref_slice %arg6[%add3A, %dma_wait3A_169] : memref<32x16xf32, #tpu.memory_space<hbm>> -> memref<1x16xf32, #tpu.memory_space<hbm>>
      %dma_wait3A_171 = tpu.memref_squeeze %dma_wait3A_170 : memref<1x16xf32, #tpu.memory_space<hbm>> -> memref<16xf32, #tpu.memory_space<hbm>>
      tpu.wait_dma2 semaphore(%run_scoped3A : memref<!tpu.dma_semaphore, #tpu.memory_space<semaphore_mem>>) src(%arg14 : memref<16xf32, #tpu.memory_space<vmem>>) dst(%dma_wait3A_171 : memref<16xf32, #tpu.memory_space<hbm>>)
      tpu.yield
    }) : () -> ()
    return
  }
}

module attributes {stable_mosaic.version = 14 : i64} {
  func.func @_finalize_tc(%arg0: memref<32x16xf32, #tpu.memory_space<vmem>>, %arg1: memref<32x16xf32, #tpu.memory_space<vmem>>, %arg2: memref<1x1xf32, #tpu.memory_space<vmem>>) attributes {dimension_semantics = [], scalar_prefetch = 0 : i64, scratch_operands = 0 : i64, tpu.core_type = #tpu.core_type<tc>} {
    %get3A = arith.constant 0 : index
    %get3A_0 = arith.constant 0 : index
    %get3A_1 = vector.load %arg0[%get3A, %get3A_0] : memref<32x16xf32, #tpu.memory_space<vmem>>, vector<32x16xf32>
    %reduce_sum3A = arith.constant dense<0.000000e+00> : vector<16xf32>
    %reduce_sum3A_2 = vector.multi_reduction <add>, %get3A_1, %reduce_sum3A [0] : vector<32x16xf32> to vector<16xf32>
    %broadcast_in_dim3A = vector.shape_cast %reduce_sum3A_2 : vector<16xf32> to vector<1x16xf32>
    %get3A_3 = arith.constant 0 : index
    %get3A_4 = arith.constant 0 : index
    %get3A_5 = vector.load %arg1[%get3A_3, %get3A_4] : memref<32x16xf32, #tpu.memory_space<vmem>>, vector<32x16xf32>
    %reduce_sum3A_6 = arith.constant dense<0.000000e+00> : vector<16xf32>
    %reduce_sum3A_7 = vector.multi_reduction <add>, %get3A_5, %reduce_sum3A_6 [0] : vector<32x16xf32> to vector<16xf32>
    %broadcast_in_dim3A_8 = vector.shape_cast %reduce_sum3A_7 : vector<16xf32> to vector<1x16xf32>
    %gt3A = arith.constant 0.000000e+00 : f32
    %gt3A_9 = vector.broadcast %gt3A : f32 to vector<1x16xf32>
    %gt3A_10 = arith.cmpf ogt, %broadcast_in_dim3A_8, %gt3A_9 : vector<1x16xf32>
    %max3A = arith.constant 9.99999996E-13 : f32
    %max3A_11 = vector.broadcast %max3A : f32 to vector<1x16xf32>
    %max3A_12 = arith.maximumf %broadcast_in_dim3A_8, %max3A_11 : vector<1x16xf32>
    %div3A = arith.divf %broadcast_in_dim3A, %max3A_12 : vector<1x16xf32>
    %jit3A = arith.constant 0.000000e+00 : f32
    %broadcast_in_dim3A_13 = vector.broadcast %jit3A : f32 to vector<1x16xf32>
    %select_n3A = arith.select %gt3A_10, %div3A, %broadcast_in_dim3A_13 : vector<1x16xi1>, vector<1x16xf32>
    %iota3A = tpu.iota {dimensions = array<i32: 1>} : vector<1x16xi32>
    %add3A = arith.constant 1 : i32
    %add3A_14 = vector.broadcast %add3A : i32 to vector<1x16xi32>
    %add3A_15 = arith.addi %iota3A, %add3A_14 : vector<1x16xi32>
    %jit3A_16 = arith.constant 0 : i32
    %broadcast_in_dim3A_17 = vector.broadcast %jit3A_16 : i32 to vector<1x16xi32>
    %select_n3A_18 = arith.select %gt3A_10, %add3A_15, %broadcast_in_dim3A_17 : vector<1x16xi1>, vector<1x16xi32>
    %reduce_max3A = vector.shape_cast %select_n3A_18 : vector<1x16xi32> to vector<1x1x16xi32>
    %reduce_max3A_19 = arith.constant dense<-2147483648> : vector<1xi32>
    %reduce_max3A_20 = vector.multi_reduction <maxsi>, %reduce_max3A, %reduce_max3A_19 [1, 2] : vector<1x1x16xi32> to vector<1xi32>
    %reduce_max3A_21 = vector.shape_cast %reduce_max3A_20 : vector<1xi32> to vector<1x1x1xi32>
    %reduce_max3A_22 = vector.extract %reduce_max3A_21[0, 0, 0] : i32 from vector<1x1x1xi32>
    %convert_element_type3A = arith.sitofp %reduce_max3A_22 : i32 to f32
    %reduce_sum3A_23 = vector.shape_cast %select_n3A : vector<1x16xf32> to vector<1x1x16xf32>
    %reduce_sum3A_24 = arith.constant dense<0.000000e+00> : vector<1xf32>
    %reduce_sum3A_25 = vector.multi_reduction <add>, %reduce_sum3A_23, %reduce_sum3A_24 [1, 2] : vector<1x1x16xf32> to vector<1xf32>
    %reduce_sum3A_26 = vector.shape_cast %reduce_sum3A_25 : vector<1xf32> to vector<1x1x1xf32>
    %reduce_sum3A_27 = vector.extract %reduce_sum3A_26[0, 0, 0] : f32 from vector<1x1x1xf32>
    %div3A_28 = arith.divf %reduce_sum3A_27, %convert_element_type3A : f32
    %sub3A = arith.constant 5.000000e-01 : f32
    %sub3A_29 = arith.subf %sub3A, %div3A_28 : f32
    %abs3A = math.absf %sub3A_29 : f32
    %reshape3A = vector.broadcast %abs3A : f32 to vector<1x1xf32>
    %swap3A = arith.constant 0 : index
    %swap3A_30 = arith.constant 0 : index
    %swap3A_31 = vector.load %arg2[%swap3A, %swap3A_30] : memref<1x1xf32, #tpu.memory_space<vmem>>, vector<1x1xf32>
    tpu.vector_store %arg2[%swap3A, %swap3A_30], %reshape3A {strides = array<i32>} : memref<1x1xf32, #tpu.memory_space<vmem>>, vector<1x1xf32>,
    return
  }
}

</mosaic_0001>

<sc_bundles>
// kernel: kernel.4.cloned.1.call-start
scs
__scs_entry_jumppad:
0x0: {  	(pc) =	sbr.rel $0x88, $3  }
0x1: {  	(tag) =	ssettag $0x0;
	lr =	simm.s32 $0x1  }
0x2: {  	[smem:$0x3F9E] =	sst lr;
	_ =	strace $0xD0000000  }
0x3: {  	_ = 	snop  }
0x4: {  	_ = 	snop  }
0x5: {  	_ = 	snop  }
0x6: {  	_ = 	snop  }
0x7: {  	_ = 	snop  }
__scs_overlays_trampoline_lowered:
0x8: {  	[smem:$0x3FAD] =	sst s0  }
0x9: {  	[smem:$0x3FAE] =	sst s1  }
0xa: {  	[smem:$0x3FAF] =	sst s2  }
0xb: {  	[smem:$0x3FB0] =	sst s3  }
0xc: {  	[smem:$0x3FB1] =	sst s4  }
0xd: {  	[smem:$0x3FB2] =	sst s5  }
0xe: {  	[smem:$0x3FB3] =	sst s6  }
0xf: {  	[smem:$0x3FB4] =	sst s7  }
0x10: {  	[smem:$0x3FB5] =	sst s8  }
0x11: {  	[smem:$0x3FB6] =	sst s9;
	s0 =	simm.s32 @!p0 $0x0  }
0x12: {  	s1 =	sld [smem:$0x3F9C];
	s0 =	simm.s32 @p0 $0x1  }
0x13: {  	[smem:$0x3FB7] =	sst s0;
	s0 =	simm.s32 @!p1 $0x0  }
0x14: {  	s2 =	sld [smem:$0x3F9B];
	s0 =	simm.s32 @p1 $0x1  }
0x15: {  	[smem:$0x3FB8] =	sst s0;
	s0 =	simm.s32 @!p2 $0x0  }
0x16: {  	s3 =	sld [smem:$0x3FDB];
	s0 =	simm.s32 @p2 $0x1  }
0x17: {  	s4 =	simm.s32 $0x1BF5;
	[smem:$0x3FBA] =	sst s0  }
0x18: {  	s0 =	sld [smem:$0x3F9D];
	_ =	swait.ge [sflag:s4], $0x0  }
0x19: {  	s7 =	sld [smem:$0x3F9E]  }
0x1a: {  	s8 =	sadd.s32 $0xFFFFE003, lr  }
0x1b: {  	s9 =	sadd.s32 $0xFFFFFEF7, lr;
	s5 =	simm.s32 $0xFFFFFFFF;
	p2 =	slt.u32 s8, $0xFFFFF086  }
0x1c: {  	p1 =	slt.u32 s9, $0xF7A;
	s5 =	simm.s32 @!p2 $0x0  }
0x1d: {  	s5 =	simm.s32 @p1 $0x1;
	p0 =	seq.s32 s7, s2  }
0x1e: {  	s7 =	smul.u32 @!p0 $0xF7A, s2;
	p2 =	seq.s32 @!p0 s5, $0x0  }
0x1f: {  	s9 =	smul.u32 $0xF7A, s1;
	s8 =	simm.s32 @!p0 $0x1BF5;
	p2 =	por !p2, p0  }
0x20: {  	[sflag:s8] =	ssyncset.s32 @!p0 $0xFFFFF086;
	s6 =	sadd.s32 @!p0 s3, s7;
	s7 =	simm.s32 @!p0 $0x108  }
0x21: {  	s3 =	sadd.s32 s3, s9;
	s6 =	sadd.s32 @!p0 $0x88, s6;
	s7 =	simm.s32 @p2 $0x1082  }
0x22: {  	[simem:s7], [sflag:s8] =	dma.local @!p0 [hbm:s6], $0xF7A  }
0x23: {  	s9 =	sor.u32 $0xD0000000, s2;
	s6 =	simm.s32 $0x108;
	_ =	swait.ge @!p0 [sflag:s8], $0x0  }
0x24: {  	s3 =	sadd.s32 $0x88, s3;
	s6 =	simm.s32 @!p1 $0x1082;
	[sflag:s4] =	ssyncset.s32 $0xFFFFF086  }
0x25: {  	[simem:s6], [sflag:s4] =	dma.local [hbm:s3], $0xF7A  }
0x26: {  	[smem:$0x3F9E] =	sst s1;
	(tag) =	ssettag s2;
	_ =	strace s9  }
0x27: {  	s1 =	sld [smem:$0x3FAE]  }
0x28: {  	s2 =	sld [smem:$0x3FAF]  }
0x29: {  	s4 =	sld [smem:$0x3FB1]  }
0x2a: {  	p0 =	seq.s32 s5, $0x0;
	s5 =	sld [smem:$0x3FB2]  }
0x2b: {  	s6 =	sld [smem:$0x3FB3]  }
0x2c: {  	s7 =	sld [smem:$0x3FB4]  }
0x2d: {  	s3 =	simm.s32 $0x108;
	s8 =	sld [smem:$0x3FB5]  }
0x2e: {  	s3 =	simm.s32 @!p0 $0x1082;
	s9 =	sld [smem:$0x3FB6]  }
0x2f: {  	lr =	sadd.s32 s0, s3;
	s0 =	sld [smem:$0x3FAD]  }
0x30: {  	s3 =	sld [smem:$0x3FB0]  }
0x31: {  	[smem:$0x3FB9] =	sst s10  }
0x32: {  	s10 =	sld [smem:$0x3FB7];
	_ =	sdelay $0x3  }
0x33: {  	p0 =	seq.s32 s10, $0x1;
	s10 =	sld [smem:$0x3FB9];
	_ =	sdelay $0x3  }
0x34: {  	[smem:$0x3FB9] =	sst s10  }
0x35: {  	s10 =	sld [smem:$0x3FB8];
	_ =	sdelay $0x3  }
0x36: {  	p1 =	seq.s32 s10, $0x1;
	s10 =	sld [smem:$0x3FB9];
	_ =	sdelay $0x3  }
0x37: {  	[smem:$0x3FB9] =	sst s10  }
0x38: {  	s10 =	sld [smem:$0x3FBA]  }
0x39: {  	_ = 	snop;
	(pc) =	sbr.ind lr, $3  }
0x3a: {  	_ = 	snop  }
0x3b: {  	_ = 	snop  }
0x3c: {  	p2 =	seq.s32 s10, $0x1;
	s10 =	sld [smem:$0x3FB9]  }
0x3d: {  	_ =	shalt  }
0x3e: {  	_ =	shalt  }
0x3f: {  	_ =	shalt  }
0x40: {  	_ =	shalt  }
0x41: {  	_ =	shalt  }
0x42: {  	_ =	shalt  }
0x43: {  	_ =	shalt  }
0x44: {  	_ =	shalt  }
0x45: {  	_ =	shalt  }
0x46: {  	_ =	shalt  }
0x47: {  	_ =	shalt  }
0x48: {  	_ =	shalt  }
0x49: {  	_ =	shalt  }
0x4a: {  	_ =	shalt  }
0x4b: {  	_ =	shalt  }
0x4c: {  	_ =	shalt  }
0x4d: {  	_ =	shalt  }
0x4e: {  	_ =	shalt  }
0x4f: {  	_ =	shalt  }
0x50: {  	_ =	shalt  }
0x51: {  	_ =	shalt  }
0x52: {  	_ =	shalt  }
0x53: {  	_ =	shalt  }
0x54: {  	_ =	shalt  }
0x55: {  	_ =	shalt  }
0x56: {  	_ =	shalt  }
0x57: {  	_ =	shalt  }
0x58: {  	_ =	shalt  }
0x59: {  	_ =	shalt  }
0x5a: {  	_ =	shalt  }
0x5b: {  	_ =	shalt  }
0x5c: {  	_ =	shalt  }
0x5d: {  	_ =	shalt  }
0x5e: {  	_ =	shalt  }
0x5f: {  	_ =	shalt  }
0x60: {  	_ =	shalt  }
0x61: {  	_ =	shalt  }
0x62: {  	_ =	shalt  }
0x63: {  	_ =	shalt  }
0x64: {  	_ =	shalt  }
0x65: {  	_ =	shalt  }
0x66: {  	_ =	shalt  }
0x67: {  	_ =	shalt  }
0x68: {  	_ =	shalt  }
0x69: {  	_ =	shalt  }
0x6a: {  	_ =	shalt  }
0x6b: {  	_ =	shalt  }
0x6c: {  	_ =	shalt  }
0x6d: {  	_ =	shalt  }
0x6e: {  	_ =	shalt  }
0x6f: {  	_ =	shalt  }
0x70: {  	_ =	shalt  }
0x71: {  	_ =	shalt  }
0x72: {  	_ =	shalt  }
0x73: {  	_ =	shalt  }
0x74: {  	_ =	shalt  }
0x75: {  	_ =	shalt  }
0x76: {  	_ =	shalt  }
0x77: {  	_ =	shalt  }
0x78: {  	_ =	shalt  }
0x79: {  	_ =	shalt  }
0x7a: {  	_ =	shalt  }
0x7b: {  	_ =	shalt  }
0x7c: {  	_ =	shalt  }
0x7d: {  	_ =	shalt  }
0x7e: {  	_ =	shalt  }
0x7f: {  	_ =	shalt  }
0x80: {  	_ =	shalt  }
0x81: {  	_ =	shalt  }
0x82: {  	_ =	shalt  }
0x83: {  	_ =	shalt  }
0x84: {  	_ =	shalt  }
0x85: {  	_ =	shalt  }
0x86: {  	_ =	shalt  }
0x87: {  	_ =	shalt  }
.Lfunc_end0:
.L_simem_size_0:
called_computation_lowered:
.L_overlay_start_0:
0x88: {  	s2 =	sld [smem:$0x3FD9]  }
0x89: {  	s3 =	sld [smem:$0x3FFE];
	_ =	sdelay $0x1  }
0x8a: {  	s1 =	srdreg.scid  }
0x8b: {  	s0 =	sand.u32 $0x1, s1  }
0x8c: {  	s17 =	sshll.u32 s0, $0xA;
	s2 =	sadd.s32 s3, s2  }
0x8d: {  	s2 =	sadd.s32 s2, s17  }
0x8e: {  	[smem:$0x3FC5] =	sst s2  }
0x8f: {  	_ = 	snop  }
0x90: {  	s2 =	sld [smem:$0x3FC9]  }
0x91: {  	s18 =	sld [smem:$0x3FC8]  }
0x92: {  	s4 =	sld [smem:$0x3FC7];
	(tm) =	ssettm $0x1  }
0x93: {  	s5 =	sld [smem:$0x3FFB];
	_ =	sdelay $0x3  }
0x94: {  	_ =	strace s5  }
0x95: {  	s5 =	sld [smem:$0x3FFC];
	_ =	sdelay $0x3  }
0x96: {  	_ =	strace s5  }
0x97: {  	s5 =	sld [smem:$0x3FFD];
	_ =	sdelay $0x3  }
0x98: {  	_ =	strace s5  }
0x99: {  	_ =	strace $0x8FFFFFFF  }
0x9a: {  	s19 =	sld [smem:$0x3FDB];
	_ =	sdelay $0x1  }
0x9b: {  	s6 =	simm.s32 $_scs_section_size  }
0x9c: {  	s7 =	simm.s32 $_size__tile_overlayer_lowered;
	s8 =	simm.s32 $_tile_overlayer_lowered  }
0x9d: {  	s22 =	simm.s32 $0x1BFF;
	s21 =	sshll.u32 s8, $0x1;
	s5 =	sadd.s32 s6, s19  }
0x9e: {  	s9 =	simm.s32 $0x0;
	s20 =	sshll.u32 s7, $0x1;
	s7 =	sadd.s32 s21, s5  }
0x9f: {  	[timem:s9], [sflag:s22] =	dma.local [hbm:s7], s20  }
0xa0: {  	_ =	swait.ge [sflag:s22], s20  }
0xa1: {  	s6 =	ssub.s32 $0x0, s20;
	[sflag:s22] =	ssyncset.done $0x0  }
0xa2: {  	[sflag:s22] =	ssyncadd.s32 s6;
	_ =	sdelay $0x1  }
0xa3: {  	s23 =	simm.s32 $0x1B8B  }
0xa4: {  	_ =	swait.ge [sflag:s23], $0x1  }
0xa5: {  	[sflag:s23] =	ssyncset.done $0x0  }
0xa6: {  	s25 =	simm.s32 $0x1B8E;
	s24 =	sld [smem:$0x3FFE];
	[sflag:s23] =	ssyncadd.s32 $0xFFFFFFFF  }
0xa7: {  	s26 =	simm.s32 $execute0_lowered;
	[smem:$0x3FD2] =	sst s25  }
0xa8: {  	s7 =	sshll.u32 s26, $0x1;
	_ =	strace $0x80000046;
	[dreg:$0x1] =	wrdreg $0xFFFFFFFF  }
0xa9: {  	s28 =	simm.s32 $_size_execute0_lowered;
	s5 =	sadd.s32 s5, s7;
	[dreg:$0x0] =	wrdreg $0x0  }
0xaa: {  	s7 =	sshll.u32 s28, $0x1;
	[dreg:$0x2] =	wrdreg s5  }
0xab: {  	[dreg:$0x3] =	wrdreg s7  }
0xac: {  	[dreg:$0x4] =	wrdreg $0xC0  }
0xad: {  	_ =	task [dreg:s9], $0x5FFFF  }
0xae: {  	[dreg:$0x1] =	wrdreg $0xFFFFFFFF  }
0xaf: {  	[dreg:$0x0] =	wrdreg $0x60  }
0xb0: {  	[dreg:$0x2] =	wrdreg s2  }
0xb1: {  	[dreg:$0x3] =	wrdreg s18  }
0xb2: {  	[dreg:$0x4] =	wrdreg s4  }
0xb3: {  	[dreg:$0x5] =	wrdreg s24  }
0xb4: {  	[dreg:$0x6] =	wrdreg $0x9  }
0xb5: {  	_ =	task.clear_ibuf [dreg:s9], $0x7FFFF;
	_ =	strace $0x90000046  }
0xb6: {  	s29 =	simm.s32 $0x9;
	_ =	strace $0x80000048  }
0xb7: {  	_ =	swait.ge [sflag:s29], $0x1  }
0xb8: {  	[sflag:s29] =	ssyncadd.s32 $0xFFFFFFFF  }
0xb9: {  	_ =	strace $0x90000048  }
0xba: {  	_ =	sfence  }
0xbb: {  	s30 =	sld [smem:$0x0];
	_ =	sdelay $0x2  }
0xbc: {  	s31 =	sshll.u32 s1, $0xD;
	s1 =	sshrl.u32 s1, $0x2  }
0xbd: {  	s3 =	sand.u32 $0x4000, s31;
	s1 =	sadd.s32 s1, s30  }
0xbe: {  	s0 =	sor.u32 s3, s0;
	s1 =	sshll.u32 s1, $0x11  }
0xbf: {  	s0 =	sor.u32 s1, s0  }
0xc0: {  	s0 =	sadd.s32 $0x8F2B, s0  }
0xc1: {  	[sflag:s0] =	ssyncadd.remote.s32 $0x1  }
0xc2: {  	_ =	sfence.sel $0xFFFF  }
0xc3: {  	[dreg:$0x0] =	wrdreg $0xFFFFFFFF;
	(pc) =	sbr.abs _section_cstart, $3  }
0xc4: {  	[dreg:$0x1] =	wrdreg $0xFFFFFFFF  }
0xc5: {  	_ =	task.clear_ibuf [dreg:s9], $0x2FFFF;
	_ =	strace $0x9FFFFFFF  }
0xc6: {  	(tm) =	ssettm $0x7FFFFFFF  }
0xc7: {  	_ =	shalt  }
tec
execute0_lowered:
.L_overlay_start_1:
0x0: {  	(tag) =	ssettag $0x1  }
0x1: {  	s1 =	rddreg [dreg:$0x0]  }
0x2: {  	s2 =	rddreg [dreg:$0x1]  }
0x3: {  	s4 =	rddreg [dreg:$0x2];
	s0 =	srdreg.scid  }
0x4: {  	s9 =	stileid.u32;
	s3 =	rddreg [dreg:$0x3];
	s5 =	simm.s32 $0x0  }
0x5: {  	s19 =	simm.s32 $0x2200;
	s20 =	simm.s32 $0x3200;
	s30 =	simm.s32 $0x0  }
0x6: {  	s0 =	sand.u32 $0x1, s0;
	s6 =	sshll.u32 s9, $0x1;
	[smem:$0x7FF] =	sst s5  }
0x7: {  	s9 =	smul.u32 $0x186A0, s9;
	s6 =	sor.u32 s0, s6;
	_ =	strace $0x80000047  }
0x8: {  	s21 =	ssub.s32 $0x2, s0;
	s0 =	smul.u32 $0xC350, s0;
	s7 =	sshll.u32 s6, $0x4  }
0x9: {  	s6 =	smul.u32 $0xC350, s6;
	s10 =	sshrl.u32 s21, $0x1;
	s3 =	sadd.s32 s7, s3  }
0xa: {  	s7 =	ssub.s32 s21, s10;
	s24 =	sadd.s32 s0, s9;
	s21 =	simm.s32 $0x1  }
0xb: {  	s8 =	sshrl.u32 s6, $0x2;
	s25 =	sadd.s32 $0xC00, s3;
	[dreg:$0x8] =	wrdreg s24  }
0xc: {  	s22 =	sshrl.u32 s6, $0x3;
	s3 =	sadd.s32 $0xE00, s3;
	[dreg:$0x9] =	wrdreg s25  }
0xd: {  	s10 =	sadd.s32 $0x7D0, s6;
	s26 =	smax.u32 s7, $0x1;
	[dreg:$0xa] =	wrdreg s3  }
0xe: {  	s11 =	sadd.s32 $0xFA0, s6;
	s28 =	sadd.s32 $0x40, s24;
	[dreg:$0xb] =	wrdreg s26  }
0xf: {  	s0 =	sadd.s32 $0xBB80, s24;
	s29 =	sadd.s32 $0x7D0, s24;
	[dreg:$0xc] =	wrdreg s28  }
0x10: {  	s31 =	sadd.s32 $0x810, s24;
	s8 =	sand.u32 $0x7FFE0, s8;
	[dreg:$0xd] =	wrdreg s29  }
0x11: {  	s23 =	sadd.s32 s2, s22;
	s0 =	sand.u32 $0x7FFF80, s0;
	[dreg:$0xe] =	wrdreg s31  }
0x12: {  	s25 =	simm.s32 $0x2;
	s8 =	sadd.s32 s1, s8;
	[dreg:$0x6] =	wrdreg s23  }
0x13: {  	s0 =	smin.u32 s0, $0x186180;
	s23 =	simm.s32 $0x2A00;
	[dreg:$0x5] =	wrdreg s8  }
0x14: {  	s8 =	sadd.s32 s4, s22;
	s0 =	ssub.s32 s24, s0;
	s22 =	simm.s32 $0x1100  }
0x15: {  	v0 =	vlaneseq.u32;
	v1 =	vimm.f32 $0.0e+00;
	s24 =	simm.s32 $0x3A00;
	[dreg:$0x7] =	wrdreg s8;
	s18 =	sadd.s32 $0xBBC0, s0  }
.LBB2_1:
0x16: {  	s0 =	rddreg [dreg:$0x5]  }
0x17: {  	s26 =	rddreg [dreg:$0x6]  }
0x18: {  	s28 =	rddreg [dreg:$0x7]  }
0x19: {  	s31 =	rddreg [dreg:$0xe]  }
0x1a: {  	s16 =	rddreg [dreg:$0xd]  }
0x1b: {  	[tilespmem:s5], [sflag:$0x1] =	stream.linear.gather [hbm4b:s0+s5], $0x1100, $0x38;
	[tilespmem:$0x4300] =	vst v63  }
0x1c: {  	s15 =	rddreg [dreg:$0xc]  }
0x1d: {  	v6 =	vimm.f32 $0.0e+00;
	v7 =	vimm.f32 $0.0e+00;
	[tilespmem:s19], [sflag:$0x1] =	stream.linear.gather [hbm4b:s26+s5], $0x7D0, $0x38;
	[tilespmem:$0x4300] =	vst v63  }
0x1e: {  	v8 =	vimm.f32 $0.0e+00;
	v9 =	vimm.f32 $0.0e+00;
	v2 =	vimm.f32 $0.0e+00;
	s9 =	rddreg [dreg:$0x8];
	s29 =	simm.s32 $0x0  }
0x1f: {  	v3 =	vimm.f32 $0.0e+00;
	v4 =	vimm.f32 $0.0e+00;
	v5 =	vimm.f32 $0.0e+00;
	[tilespmem:s20], [sflag:$0x1] =	stream.linear.gather [hbm4b:s28+s5], $0x7D0, $0x38;
	[tilespmem:$0x4300] =	vst v63  }
.LBB2_2:
0x20: {  	_ =	swait.ge [sflag:s21], $0x1100  }
0x21: {  	[sflag:s21] =	ssyncset.done $0x0  }
0x22: {  	s7 =	smul.u32 $0xFA0, s29;
	[sflag:s21] =	ssyncadd.s32 $0xFFFFEF00  }
0x23: {  	_ =	swait.ge [sflag:s21], $0x7D0  }
0x24: {  	s0 =	sadd.s32 s7, s10;
	[sflag:s21] =	ssyncset.done $0x0  }
0x25: {  	s6 =	sand.u32 $0x3FFF80, s0;
	[sflag:s21] =	ssyncadd.s32 $0xFFFFF830  }
0x26: {  	s13 =	sand.u32 $0xFFFFFF80, s9;
	s6 =	smin.u32 s6, $0x186180;
	_ =	swait.ge [sflag:s21], $0x7D0  }
0x27: {  	s8 =	ssub.s32 $0x0, s13;
	s6 =	sshrl.u32 s6, $0x2;
	[sflag:s21] =	ssyncset.done $0x0  }
0x28: {  	s0 =	sshrl.u32 s0, $0x3;
	s6 =	sadd.s32 s1, s6;
	[sflag:s21] =	ssyncadd.s32 $0xFFFFF830  }
0x29: {  	[tilespmem:s22], [sflag:$0x2] =	stream.linear.gather [hbm4b:s6+s5], $0x1100, $0x38;
	[tilespmem:$0x4300] =	vst v63  }
0x2a: {  	s12 =	simm.s32 $0x2220;
	s17 =	sadd.s32 s15, s8;
	s14 =	sadd.s32 s2, s0  }
0x2b: {  	[tilespmem:s23], [sflag:$0x2] =	stream.linear.gather [hbm4b:s14+s5], $0x7D0, $0x38;
	[tilespmem:$0x4300] =	vst v63  }
0x2c: {  	v10 =	vor.u32 s17, v0;
	s26 =	sadd.s32 $0xFFFFFFE0, s17;
	s13 =	sadd.s32 $0xFFFFFFF0, s17;
	s0 =	sadd.s32 s4, s0  }
0x2d: {  	v11 =	vmov s17;
	v10 =	vand.u32 $0x7F, v10;
	[tilespmem:s24], [sflag:$0x2] =	stream.linear.gather [hbm4b:s0+s5], $0x7D0, $0x38;
	[tilespmem:$0x4300] =	vst v63  }
0x2e: {  	v12 =	vor.u32 s26, v0;
	v13 =	vor.u32 s13, v0;
	v11 =	vshll.u32 v11, $0x1;
	v14 =	vld [tilespmem:s12+$0x20]  }
0x2f: {  	v16 =	vmov s26;
	v17 =	vmov s13;
	v12 =	vand.u32 $0x7F, v12;
	v18 =	vld [tilespmem:s12+$0x10]  }
0x30: {  	v13 =	vand.u32 $0x7F, v13;
	v16 =	vshll.u32 v16, $0x1;
	v17 =	vshll.u32 v17, $0x1;
	v22 =	vld [tilespmem:s12+$0x0]  }
0x31: {  	v11 =	vand.u32 $0xFFFFFF00, v11;
	v16 =	vand.u32 $0xFFFFFF00, v16;
	v17 =	vand.u32 $0xFFFFFF00, v17;
	s6 =	sadd.s32 $0xFFFFFFC0, s17;
	s14 =	sadd.s32 $0xFFFFFFD0, s17;
	v23 =	vld [tilespmem:s12+$0xFFFFFFF0]  }
0x32: {  	s13 =	simm.s32 $0x3220;
	v19 =	vmov s6;
	v20 =	vor.u32 s6, v0;
	v21 =	vmov s14;
	v40 =	vld [tilespmem:s12+$0xFFFFFFE0]  }
0x33: {  	v19 =	vshll.u32 v19, $0x1;
	v15 =	vor.u32 s14, v0;
	v21 =	vshll.u32 v21, $0x1;
	v45 =	vld [tilespmem:s13+$0x20]  }
0x34: {  	v15 =	vand.u32 $0x7F, v15;
	v21 =	vand.u32 $0xFFFFFF00, v21;
	v24 =	vshrl.u32 v14, $0x1  }
0x35: {  	v25 =	vshll.u32 v18, $0x7;
	v14 =	vshll.u32 v14, $0x7;
	v26 =	vshrl.u32 v22, $0x1  }
0x36: {  	v22 =	vshll.u32 v22, $0x7;
	v41 =	vshll.u32 v23, $0x7;
	v24 =	vmul.u32 $0x1100, v24  }
0x37: {  	v42 =	vshrl.u32 v23, $0x1;
	v48 =	vshll.u32 v40, $0x7;
	v26 =	vmul.u32 $0x1100, v26  }
0x38: {  	vm0 =	veq.s32 v45, $0x0;
	v14 =	vand.u32 $0x80, v14;
	v11 =	vadd.s32 v11, v24  }
0x39: {  	vm2 =	veq.s32 v45, $0x1;
	v16 =	vadd.s32 v16, v26;
	v11 =	vor.u32 v14, v11  }
0x3a: {  	v14 =	vshrl.u32 v18, $0x1;
	v10 =	vor.u32 v10, v11;
	v11 =	vand.u32 $0x80, v22  }
0x3b: {  	vm4 =	veq.s32 v45, $0x2;
	v14 =	vmul.u32 $0x1100, v14;
	v11 =	vor.u32 v11, v16  }
0x3c: {  	v47 =	vld [tilespmem:s13+$0x10];
	v43 =	vand.u32 $0x80, v25;
	v44 =	vmul.u32 $0x1100, v42;
	v11 =	vor.u32 v12, v11  }
0x3d: {  	v46 =	vand.u32 $0x80, v41;
	v14 =	vadd.s32 v17, v14;
	v12 =	vshrl.u32 v40, $0x1  }
0x3e: {  	v49 =	vld [tilespmem:s13+$0x0];
	v16 =	vadd.s32 v21, v44;
	v14 =	vor.u32 v43, v14;
	v12 =	vmul.u32 $0x1100, v12  }
0x3f: {  	v16 =	vor.u32 v46, v16;
	v13 =	vor.u32 v13, v14;
	v14 =	vand.u32 $0xFFFFFF00, v19;
	v10 =	vld.idx.msk [tilespmem:v10+s5+$0x0], $0xffff  }
0x40: {  	v50 =	vand.u32 $0x80, v48;
	v12 =	vadd.s32 v14, v12;
	v14 =	vor.u32 v15, v16  }
0x41: {  	vm3 =	veq.s32 v47, $0x0;
	v15 =	vand.u32 $0x7F, v20;
	v12 =	vor.u32 v50, v12;
	v11 =	vld.idx.msk [tilespmem:v11+s5+$0x0], $0xffff  }
0x42: {  	vm9 =	veq.s32 v47, $0x1;
	vm13 =	veq.s32 v45, $0x3;
	v12 =	vor.u32 v15, v12;
	v15 =	vld [tilespmem:s13+$0xFFFFFFF0]  }
0x43: {  	vm10 =	veq.s32 v49, $0x0;
	vm6 =	veq.s32 v47, $0x2;
	vm5 =	veq.s32 v47, $0x3  }
0x44: {  	vm1 =	veq.s32 v49, $0x1;
	vm7 =	veq.s32 v49, $0x2;
	v13 =	vld.idx.msk [tilespmem:v13+s5+$0x0], $0xffff;
	v10 =	vsub.f32 $1.000000000e+00, v10  }
0x45: {  	vm8 =	veq.s32 v49, $0x3;
	v56 =	vsel vm10, $0x3F800000, v1;
	v58 =	vsel vm3, $0x3F800000, v1;
	v14 =	vld.idx.msk [tilespmem:v14+s5+$0x0], $0xffff  }
0x46: {  	v60 =	vsel vm9, $0x3F800000, v1;
	v31 =	vsel vm1, $0x3F800000, v1;
	v51 =	vand.u32 $0x7FFFFFFF, v10  }
0x47: {  	v10 =	vsel vm0, $0x3F800000, v1;
	v52 =	vsub.f32 $1.000000000e+00, v11;
	v12 =	vld.idx.msk [tilespmem:v12+s5+$0x0], $0xffff;
	vm11 =	veq.s32 v15, $0x1  }
0x48: {  	v55 =	vld [tilespmem:s13+$0xFFFFFFE0];
	v53 =	vnsel vm0, $0x0, v51;
	v54 =	vnsel vm2, $0x0, v51;
	vm0 =	veq.s32 v15, $0x2  }
0x49: {  	v29 =	vsel vm11, $0x3F800000, v1;
	v13 =	vsub.f32 $1.000000000e+00, v13;
	v17 =	vand.u32 $0x7FFFFFFF, v52  }
0x4a: {  	v57 =	vnsel vm10, $0x0, v17;
	vm10 =	veq.s32 v15, $0x0;
	v14 =	vsub.f32 $1.000000000e+00, v14  }
0x4b: {  	v32 =	vnsel vm1, $0x0, v17;
	v13 =	vand.u32 $0x7FFFFFFF, v13;
	v27 =	vsel vm10, $0x3F800000, v1  }
0x4c: {  	v61 =	vnsel vm9, $0x0, v13;
	v14 =	vand.u32 $0x7FFFFFFF, v14;
	v12 =	vsub.f32 $1.000000000e+00, v12  }
0x4d: {  	vm9 =	veq.s32 v15, $0x3;
	v28 =	vnsel vm10, $0x0, v14;
	vm10 =	veq.s32 v55, $0x0  }
0x4e: {  	v30 =	vnsel vm11, $0x0, v14;
	vm11 =	veq.s32 v55, $0x1;
	v12 =	vand.u32 $0x7FFFFFFF, v12  }
0x4f: {  	v15 =	vsel vm10, $0x3F800000, v1;
	v34 =	vsel vm11, $0x3F800000, v1;
	v33 =	vnsel vm10, $0x0, v12  }
0x50: {  	vm10 =	veq.s32 v55, $0x2;
	v35 =	vnsel vm11, $0x0, v12;
	vm11 =	veq.s32 v55, $0x3  }
0x51: {  	v9 =	vadd.f32 v15, v9;
	v8 =	vadd.f32 v34, v8;
	v62 =	vnsel vm10, $0x0, v12  }
0x52: {  	v5 =	vadd.f32 v33, v5;
	v4 =	vadd.f32 v35, v4;
	v12 =	vnsel vm11, $0x0, v12  }
0x53: {  	v63 =	vsel vm10, $0x3F800000, v1;
	v3 =	vadd.f32 v62, v3;
	v2 =	vadd.f32 v12, v2  }
0x54: {  	v59 =	vnsel vm3, $0x0, v13;
	v7 =	vadd.f32 v63, v7;
	v9 =	vadd.f32 v27, v9  }
0x55: {  	v12 =	vnsel vm0, $0x0, v14;
	v8 =	vadd.f32 v29, v8;
	v5 =	vadd.f32 v28, v5  }
0x56: {  	v14 =	vnsel vm9, $0x0, v14;
	v4 =	vadd.f32 v30, v4;
	v3 =	vadd.f32 v12, v3  }
0x57: {  	v2 =	vadd.f32 v14, v2;
	v12 =	vnsel vm7, $0x0, v17;
	v9 =	vadd.f32 v56, v9  }
0x58: {  	v14 =	vnsel vm8, $0x0, v17;
	v4 =	vadd.f32 v32, v4;
	v3 =	vadd.f32 v12, v3  }
0x59: {  	v5 =	vadd.f32 v57, v5;
	v2 =	vadd.f32 v14, v2;
	v12 =	vnsel vm6, $0x0, v13  }
0x5a: {  	v13 =	vnsel vm5, $0x0, v13;
	v4 =	vadd.f32 v61, v4;
	v12 =	vadd.f32 v12, v3  }
0x5b: {  	v14 =	vnsel vm4, $0x0, v51;
	v5 =	vadd.f32 v59, v5;
	v13 =	vadd.f32 v13, v2  }
0x5c: {  	v3 =	vadd.f32 v54, v4;
	v4 =	vadd.f32 v14, v12;
	v12 =	vsel vm11, $0x3F800000, v1  }
0x5d: {  	v2 =	vadd.f32 v53, v5;
	v5 =	vnsel vm13, $0x0, v51;
	v6 =	vadd.f32 v12, v6  }
0x5e: {  	v5 =	vadd.f32 v5, v13;
	v13 =	vsel vm0, $0x3F800000, v1;
	v12 =	vsel vm9, $0x3F800000, v1  }
0x5f: {  	v11 =	vsel vm2, $0x3F800000, v1;
	v7 =	vadd.f32 v13, v7;
	v6 =	vadd.f32 v12, v6  }
0x60: {  	v8 =	vadd.f32 v31, v8;
	v14 =	vsel vm7, $0x3F800000, v1;
	v12 =	vsel vm8, $0x3F800000, v1  }
0x61: {  	v15 =	vsel vm5, $0x3F800000, v1;
	v14 =	vadd.f32 v14, v7;
	v12 =	vadd.f32 v12, v6  }
0x62: {  	s28 =	sand.u32 $0xFFFFFF80, s16;
	v13 =	vsel vm6, $0x3F800000, v1;
	v7 =	vadd.f32 v60, v8;
	v6 =	vadd.f32 v58, v9  }
0x63: {  	s6 =	ssub.s32 $0x0, s28;
	s14 =	simm.s32 $0x0;
	s0 =	sadd.s32 $0x50, s15;
	v8 =	vsel vm4, $0x3F800000, v1;
	v9 =	vadd.f32 v13, v14;
	v12 =	vadd.f32 v15, v12  }
.LBB2_3:
0x64: {  	s3 =	sadd.s32 s0, s8;
	v47 =	vimm.s32 $0x0;
	v6 =	vadd.f32 v10, v6;
	v7 =	vadd.f32 v11, v7  }
0x65: {  	s12 =	sadd.s32 $0x50, s12;
	v10 =	vsel vm13, $0x3F800000, v1;
	v11 =	vor.u32 s3, v0;
	v8 =	vadd.f32 v8, v9  }
0x66: {  	s17 =	sadd.s32 $0xFFFFFFE0, s3;
	s26 =	sadd.s32 $0xFFFFFFF0, s3;
	s28 =	sadd.s32 $0xFFFFFFD0, s3;
	v9 =	vadd.f32 v10, v12;
	v10 =	vmov s3;
	v11 =	vand.u32 $0x7F, v11  }
0x67: {  	v14 =	vld [tilespmem:s12+$0x20];
	v12 =	vor.u32 s17, v0;
	v13 =	vor.u32 s26, v0;
	v15 =	vor.u32 s28, v0  }
0x68: {  	v17 =	vld [tilespmem:s12+$0x10];
	s3 =	sadd.s32 $0xFFFFFFC0, s3;
	v16 =	vmov s17;
	v18 =	vmov s26;
	v21 =	vmov s28  }
0x69: {  	v22 =	vld [tilespmem:s12+$0x0];
	v10 =	vshll.u32 v10, $0x1;
	v19 =	vmov s3;
	v20 =	vor.u32 s3, v0  }
0x6a: {  	v23 =	vld [tilespmem:s12+$0xFFFFFFF0];
	v12 =	vand.u32 $0x7F, v12;
	v13 =	vand.u32 $0x7F, v13;
	v15 =	vand.u32 $0x7F, v15  }
0x6b: {  	s13 =	sadd.s32 $0x50, s13;
	v24 =	vld [tilespmem:s12+$0xFFFFFFE0];
	v16 =	vshll.u32 v16, $0x1;
	v18 =	vshll.u32 v18, $0x1;
	v21 =	vshll.u32 v21, $0x1  }
0x6c: {  	v30 =	vld [tilespmem:s13+$0x20];
	v10 =	vand.u32 $0xFFFFFF00, v10;
	v20 =	vand.u32 $0x7F, v20;
	v19 =	vshll.u32 v19, $0x1  }
0x6d: {  	v21 =	vand.u32 $0xFFFFFF00, v21;
	v16 =	vand.u32 $0xFFFFFF00, v16;
	v18 =	vand.u32 $0xFFFFFF00, v18  }
0x6e: {  	v19 =	vand.u32 $0xFFFFFF00, v19;
	v25 =	vshll.u32 v17, $0x7;
	v26 =	vshll.u32 v14, $0x7  }
0x6f: {  	v27 =	vshll.u32 v22, $0x7;
	v17 =	vshrl.u32 v17, $0x1;
	v14 =	vshrl.u32 v14, $0x1  }
0x70: {  	v28 =	vshll.u32 v24, $0x7;
	v29 =	vshll.u32 v23, $0x7;
	v22 =	vshrl.u32 v22, $0x1  }
0x71: {  	v24 =	vshrl.u32 v24, $0x1;
	v23 =	vshrl.u32 v23, $0x1;
	vm13 =	veq.s32 v30, $0x0  }
0x72: {  	vm6 =	veq.s32 v30, $0x1;
	v26 =	vand.u32 $0x80, v26;
	v14 =	vmul.u32 $0x1100, v14  }
0x73: {  	v27 =	vand.u32 $0x80, v27;
	v29 =	vand.u32 $0x80, v29;
	v22 =	vmul.u32 $0x1100, v22  }
0x74: {  	v44 =	vld [tilespmem:s13+$0x10];
	v28 =	vand.u32 $0x80, v28;
	v10 =	vadd.s32 v10, v14;
	v14 =	vmul.u32 $0x1100, v24  }
0x75: {  	v45 =	vld [tilespmem:s13+$0x0];
	v23 =	vmul.u32 $0x1100, v23;
	v16 =	vadd.s32 v16, v22;
	v10 =	vor.u32 v26, v10  }
0x76: {  	v16 =	vor.u32 v27, v16;
	v10 =	vor.u32 v11, v10;
	v14 =	vadd.s32 v19, v14  }
0x77: {  	v46 =	vld [tilespmem:s13+$0xFFFFFFF0];
	v11 =	vadd.s32 v21, v23;
	v12 =	vor.u32 v12, v16;
	v14 =	vor.u32 v28, v14  }
0x78: {  	vm0 =	veq.s32 v30, $0x2;
	v11 =	vor.u32 v29, v11;
	v14 =	vor.u32 v20, v14  }
0x79: {  	vm14 =	veq.s32 v44, $0x0;
	vm15 =	veq.s32 v44, $0x1;
	v11 =	vor.u32 v15, v11  }
0x7a: {  	vm7 =	veq.s32 v30, $0x3;
	vm4 =	veq.s32 v45, $0x0;
	vm9 =	veq.s32 v44, $0x2;
	v15 =	vld [tilespmem:s13+$0xFFFFFFE0]  }
0x7b: {  	vm10 =	veq.s32 v44, $0x3;
	vm5 =	veq.s32 v45, $0x1;
	v17 =	vmul.u32 $0x1100, v17;
	v48 =	vld.idx.msk [tilespmem:v10+s5+$0x0], $0xffff  }
0x7c: {  	vm8 =	veq.s32 v45, $0x2;
	vm11 =	veq.s32 v45, $0x3;
	vm3 =	veq.s32 v46, $0x0;
	v12 =	vld.idx.msk [tilespmem:v12+s5+$0x0], $0xffff  }
0x7d: {  	v25 =	vand.u32 $0x80, v25;
	v17 =	vadd.s32 v18, v17;
	v10 =	vimm.s32 $0x0;
	v14 =	vld.idx.msk [tilespmem:v14+s5+$0x0], $0xffff  }
0x7e: {  	vm2 =	veq.s32 v46, $0x1;
	v17 =	vor.u32 v25, v17;
	v10 =	vsel vm9, $0xFFFFFFFF, v10;
	v49 =	vld.idx.msk [tilespmem:v11+s5+$0x0], $0xffff  }
0x7f: {  	v51 =	vsel vm3, $0x3F800000, v1;
	v13 =	vor.u32 v13, v17;
	[tilespmem:$0x1FFD0] =	vst v10;
	v10 =	vimm.s32 $0x0  }
0x80: {  	v17 =	vsel vm0, $0xFFFFFFFF, v47;
	vm9 =	veq.s32 v46, $0x2;
	v10 =	vsel vm10, $0xFFFFFFFF, v10  }
0x81: {  	vm0 =	veq.s32 v15, $0x0;
	vm1 =	veq.s32 v15, $0x1;
	[tilespmem:$0x1FFE0] =	vst v10;
	v10 =	vimm.s32 $0x0  }
0x82: {  	v10 =	vsel vm11, $0xFFFFFFFF, v10;
	v12 =	vsub.f32 $1.000000000e+00, v12;
	v14 =	vsub.f32 $1.000000000e+00, v14  }
0x83: {  	vm12 =	veq.s32 v15, $0x2;
	vm10 =	veq.s32 v46, $0x3;
	[tilespmem:$0x1FFC0] =	vst v10;
	v18 =	vsub.f32 $1.000000000e+00, v49  }
0x84: {  	vm11 =	veq.s32 v15, $0x3;
	v12 =	vand.u32 $0x7FFFFFFF, v12;
	v63 =	vld [tilespmem:$0x1FFC0];
	v14 =	vand.u32 $0x7FFFFFFF, v14  }
0x85: {  	v59 =	vnsel vm4, $0x0, v12;
	v18 =	vand.u32 $0x7FFFFFFF, v18;
	v33 =	vnsel vm0, $0x0, v14  }
0x86: {  	v34 =	vnsel vm1, $0x0, v14;
	v35 =	vnsel vm12, $0x0, v14;
	v14 =	vnsel vm11, $0x0, v14  }
0x87: {  	v62 =	vnsel vm3, $0x0, v18;
	v31 =	vnsel vm2, $0x0, v18;
	v5 =	vadd.f32 v14, v5  }
0x88: {  	v13 =	vld.idx.msk [tilespmem:v13+s5+$0x0], $0xffff;
	v4 =	vadd.f32 v35, v4;
	v14 =	vnsel vm9, $0x0, v18;
	v18 =	vnsel vm10, $0x0, v18  }
0x89: {  	v32 =	vnsel vm5, $0x0, v12;
	vm3 =	vnez.u8 v63;
	v5 =	vadd.f32 v18, v5  }
0x8a: {  	v4 =	vadd.f32 v14, v4;
	v14 =	vnsel vm8, $0x0, v12;
	v12 =	vnsel vm3, $0x0, v12  }
0x8b: {  	v50 =	vsel vm15, $0x3F800000, v1;
	v52 =	vsel vm4, $0x3F800000, v1;
	v5 =	vadd.f32 v12, v5;
	v12 =	vld [tilespmem:$0x1FFD0]  }
0x8c: {  	v53 =	vsel vm5, $0x3F800000, v1;
	v54 =	vsel vm2, $0x3F800000, v1;
	v55 =	vsel vm0, $0x3F800000, v1  }
0x8d: {  	v56 =	vsel vm1, $0x3F800000, v1;
	v6 =	vadd.f32 v55, v6;
	v13 =	vsub.f32 $1.000000000e+00, v13  }
0x8e: {  	v11 =	vsel vm6, $0x3F800000, v1;
	v7 =	vadd.f32 v56, v7;
	v15 =	vsel vm14, $0x3F800000, v1  }
0x8f: {  	[tilespmem:$0x1FFF0] =	vst v17;
	v17 =	vsub.f32 $1.000000000e+00, v48;
	v6 =	vadd.f32 v51, v6;
	v13 =	vand.u32 $0x7FFFFFFF, v13  }
0x90: {  	v2 =	vadd.f32 v33, v2;
	v4 =	vadd.f32 v14, v4;
	vm4 =	vnez.u8 v12  }
0x91: {  	v7 =	vadd.f32 v54, v7;
	v3 =	vadd.f32 v34, v3;
	v14 =	vld [tilespmem:$0x1FFE0];
	v12 =	vnsel vm4, $0x0, v13  }
0x92: {  	v10 =	vsel vm13, $0x3F800000, v1;
	v2 =	vadd.f32 v62, v2;
	v4 =	vadd.f32 v12, v4;
	v12 =	vld [tilespmem:$0x1FFF0]  }
0x93: {  	v17 =	vand.u32 $0x7FFFFFFF, v17;
	v6 =	vadd.f32 v52, v6;
	v3 =	vadd.f32 v31, v3  }
0x94: {  	v58 =	vnsel vm6, $0x0, v17;
	v7 =	vadd.f32 v53, v7;
	v2 =	vadd.f32 v59, v2  }
0x95: {  	v60 =	vnsel vm14, $0x0, v13;
	v6 =	vadd.f32 v15, v6;
	v3 =	vadd.f32 v32, v3  }
0x96: {  	v61 =	vnsel vm15, $0x0, v13;
	v7 =	vadd.f32 v50, v7;
	v2 =	vadd.f32 v60, v2  }
0x97: {  	v3 =	vadd.f32 v61, v3;
	vm5 =	vnez.u8 v14;
	vm6 =	vnez.u8 v12  }
0x98: {  	v14 =	vsel vm12, $0x3F800000, v1;
	v13 =	vnsel vm5, $0x0, v13;
	v12 =	vnsel vm6, $0x0, v17  }
0x99: {  	v5 =	vadd.f32 v13, v5;
	v4 =	vadd.f32 v12, v4;
	v12 =	vsel vm11, $0x3F800000, v1  }
0x9a: {  	s14 =	sadd.s32 $0x5, s14;
	v8 =	vadd.f32 v14, v8;
	v13 =	vnsel vm7, $0x0, v17;
	v9 =	vadd.f32 v12, v9  }
0x9b: {  	p0 =	slt.u32 s14, $0x78;
	v5 =	vadd.f32 v13, v5;
	v13 =	vsel vm10, $0x3F800000, v1;
	v12 =	vsel vm9, $0x3F800000, v1  }
.Ltmp0:
0x9c: {  	v57 =	vnsel vm13, $0x0, v17;
	v8 =	vadd.f32 v12, v8;
	v9 =	vadd.f32 v13, v9;
	(pc) =	sbr.rel @p0 .LBB2_3-.Ltmp0, $4  }
0x9d: {  	v2 =	vadd.f32 v57, v2;
	v12 =	vsel vm8, $0x3F800000, v1;
	v13 =	vsel vm3, $0x3F800000, v1  }
0x9e: {  	vm13 =	vmmov vm7;
	v8 =	vadd.f32 v12, v8;
	v12 =	vadd.f32 v13, v9  }
0x9f: {  	v3 =	vadd.f32 v58, v3;
	v9 =	vsel vm4, $0x3F800000, v1;
	v13 =	vsel vm5, $0x3F800000, v1  }
0xa0: {  	s0 =	sadd.s32 $0x50, s0;
	v9 =	vadd.f32 v9, v8;
	v8 =	vsel vm6, $0x3F800000, v1;
	v12 =	vadd.f32 v13, v12  }
0xa1: {  	_ =	swait.ge [sflag:s25], $0x1100  }
0xa2: {  	[sflag:s25] =	ssyncset.done $0x0  }
0xa3: {  	[sflag:s25] =	ssyncadd.s32 $0xFFFFEF00  }
0xa4: {  	_ =	swait.ge [sflag:s25], $0x7D0  }
0xa5: {  	s0 =	sadd.s32 s7, s11;
	[sflag:s25] =	ssyncset.done $0x0  }
0xa6: {  	s3 =	sand.u32 $0x3FFF80, s0;
	[sflag:s25] =	ssyncadd.s32 $0xFFFFF830  }
0xa7: {  	s3 =	smin.u32 s3, $0x186180;
	_ =	swait.ge [sflag:s25], $0x7D0  }
0xa8: {  	s3 =	sshrl.u32 s3, $0x2;
	[sflag:s25] =	ssyncset.done $0x0  }
0xa9: {  	s0 =	sshrl.u32 s0, $0x3;
	s3 =	sadd.s32 s1, s3;
	[sflag:s25] =	ssyncadd.s32 $0xFFFFF830  }
0xaa: {  	[tilespmem:s5], [sflag:$0x1] =	stream.linear.gather [hbm4b:s3+s5], $0x1100, $0x38;
	[tilespmem:$0x4300] =	vst v63  }
0xab: {  	s26 =	sadd.s32 s31, s6;
	s7 =	simm.s32 $0x2A20;
	s17 =	sadd.s32 s2, s0  }
0xac: {  	v6 =	vadd.f32 v10, v6;
	v7 =	vadd.f32 v11, v7;
	[tilespmem:s19], [sflag:$0x1] =	stream.linear.gather [hbm4b:s17+s5], $0x7D0, $0x38;
	[tilespmem:$0x4300] =	vst v63  }
0xad: {  	v10 =	vsel vm13, $0x3F800000, v1;
	v9 =	vadd.f32 v8, v9;
	v8 =	vor.u32 s26, v0;
	s28 =	sadd.s32 $0xFFFFFFE0, s26;
	s8 =	sadd.s32 $0xFFFFFFF0, s26;
	s0 =	sadd.s32 s4, s0  }
0xae: {  	v10 =	vadd.f32 v10, v12;
	v11 =	vmov s26;
	v8 =	vand.u32 $0x7F, v8;
	[tilespmem:s20], [sflag:$0x1] =	stream.linear.gather [hbm4b:s0+s5], $0x7D0, $0x38;
	[tilespmem:$0x4300] =	vst v63  }
0xaf: {  	s12 =	sadd.s32 $0xFFFFFFD0, s26;
	v12 =	vor.u32 s28, v0;
	v13 =	vor.u32 s8, v0;
	v11 =	vshll.u32 v11, $0x1;
	v14 =	vld [tilespmem:s7+$0x20]  }
0xb0: {  	v15 =	vor.u32 s12, v0;
	v16 =	vmov s28;
	v17 =	vmov s8;
	v18 =	vld [tilespmem:s7+$0x10]  }
0xb1: {  	v21 =	vmov s12;
	v12 =	vand.u32 $0x7F, v12;
	v13 =	vand.u32 $0x7F, v13;
	v22 =	vld [tilespmem:s7+$0x0]  }
0xb2: {  	v11 =	vand.u32 $0xFFFFFF00, v11;
	v15 =	vand.u32 $0x7F, v15;
	v21 =	vshll.u32 v21, $0x1;
	v23 =	vld [tilespmem:s7+$0xFFFFFFF0]  }
0xb3: {  	s8 =	simm.s32 $0x3A20;
	v16 =	vshll.u32 v16, $0x1;
	v17 =	vshll.u32 v17, $0x1;
	v21 =	vand.u32 $0xFFFFFF00, v21;
	s3 =	sadd.s32 $0xFFFFFFC0, s26;
	v40 =	vld [tilespmem:s7+$0xFFFFFFE0]  }
0xb4: {  	v16 =	vand.u32 $0xFFFFFF00, v16;
	v17 =	vand.u32 $0xFFFFFF00, v17;
	v19 =	vmov s3;
	v45 =	vld [tilespmem:s8+$0x20]  }
0xb5: {  	v20 =	vor.u32 s3, v0;
	v19 =	vshll.u32 v19, $0x1;
	v24 =	vshrl.u32 v14, $0x1  }
0xb6: {  	v25 =	vshll.u32 v18, $0x7;
	v14 =	vshll.u32 v14, $0x7;
	v26 =	vshrl.u32 v22, $0x1  }
0xb7: {  	v22 =	vshll.u32 v22, $0x7;
	v41 =	vshll.u32 v23, $0x7;
	v24 =	vmul.u32 $0x1100, v24  }
0xb8: {  	v42 =	vshrl.u32 v23, $0x1;
	v48 =	vshll.u32 v40, $0x7;
	v26 =	vmul.u32 $0x1100, v26  }
0xb9: {  	vm0 =	veq.s32 v45, $0x0;
	v14 =	vand.u32 $0x80, v14;
	v11 =	vadd.s32 v11, v24  }
0xba: {  	vm3 =	veq.s32 v45, $0x1;
	v16 =	vadd.s32 v16, v26;
	v11 =	vor.u32 v14, v11  }
0xbb: {  	v14 =	vshrl.u32 v18, $0x1;
	v8 =	vor.u32 v8, v11;
	v11 =	vand.u32 $0x80, v22  }
0xbc: {  	vm1 =	veq.s32 v45, $0x2;
	v14 =	vmul.u32 $0x1100, v14;
	v11 =	vor.u32 v11, v16  }
0xbd: {  	v47 =	vld [tilespmem:s8+$0x10];
	v43 =	vand.u32 $0x80, v25;
	v44 =	vmul.u32 $0x1100, v42;
	v11 =	vor.u32 v12, v11  }
0xbe: {  	v46 =	vand.u32 $0x80, v41;
	v14 =	vadd.s32 v17, v14;
	v12 =	vshrl.u32 v40, $0x1  }
0xbf: {  	v49 =	vld [tilespmem:s8+$0x0];
	v16 =	vadd.s32 v21, v44;
	v14 =	vor.u32 v43, v14;
	v12 =	vmul.u32 $0x1100, v12  }
0xc0: {  	v16 =	vor.u32 v46, v16;
	v13 =	vor.u32 v13, v14;
	v14 =	vand.u32 $0xFFFFFF00, v19;
	v8 =	vld.idx.msk [tilespmem:v8+s22+$0x0], $0xffff  }
0xc1: {  	v50 =	vand.u32 $0x80, v48;
	v12 =	vadd.s32 v14, v12;
	v14 =	vor.u32 v15, v16  }
0xc2: {  	vm4 =	veq.s32 v47, $0x0;
	v15 =	vand.u32 $0x7F, v20;
	v12 =	vor.u32 v50, v12;
	v11 =	vld.idx.msk [tilespmem:v11+s22+$0x0], $0xffff  }
0xc3: {  	vm9 =	veq.s32 v47, $0x1;
	vm13 =	veq.s32 v45, $0x3;
	v12 =	vor.u32 v15, v12;
	v15 =	vld [tilespmem:s8+$0xFFFFFFF0]  }
0xc4: {  	vm10 =	veq.s32 v49, $0x0;
	vm6 =	veq.s32 v47, $0x2;
	vm5 =	veq.s32 v47, $0x3  }
0xc5: {  	vm2 =	veq.s32 v49, $0x1;
	vm7 =	veq.s32 v49, $0x2;
	v13 =	vld.idx.msk [tilespmem:v13+s22+$0x0], $0xffff;
	v8 =	vsub.f32 $1.000000000e+00, v8  }
0xc6: {  	vm8 =	veq.s32 v49, $0x3;
	v56 =	vsel vm10, $0x3F800000, v1;
	v58 =	vsel vm4, $0x3F800000, v1;
	v14 =	vld.idx.msk [tilespmem:v14+s22+$0x0], $0xffff  }
0xc7: {  	v60 =	vsel vm9, $0x3F800000, v1;
	v31 =	vsel vm2, $0x3F800000, v1;
	v51 =	vand.u32 $0x7FFFFFFF, v8  }
0xc8: {  	v8 =	vsel vm0, $0x3F800000, v1;
	v52 =	vsub.f32 $1.000000000e+00, v11;
	v12 =	vld.idx.msk [tilespmem:v12+s22+$0x0], $0xffff;
	vm11 =	veq.s32 v15, $0x1  }
0xc9: {  	v55 =	vld [tilespmem:s8+$0xFFFFFFE0];
	v53 =	vnsel vm0, $0x0, v51;
	v54 =	vnsel vm3, $0x0, v51;
	vm0 =	veq.s32 v15, $0x2  }
0xca: {  	v29 =	vsel vm11, $0x3F800000, v1;
	v13 =	vsub.f32 $1.000000000e+00, v13;
	v17 =	vand.u32 $0x7FFFFFFF, v52  }
0xcb: {  	v57 =	vnsel vm10, $0x0, v17;
	vm10 =	veq.s32 v15, $0x0;
	v14 =	vsub.f32 $1.000000000e+00, v14  }
0xcc: {  	v32 =	vnsel vm2, $0x0, v17;
	v13 =	vand.u32 $0x7FFFFFFF, v13;
	v27 =	vsel vm10, $0x3F800000, v1  }
0xcd: {  	v61 =	vnsel vm9, $0x0, v13;
	v14 =	vand.u32 $0x7FFFFFFF, v14;
	v12 =	vsub.f32 $1.000000000e+00, v12  }
0xce: {  	vm9 =	veq.s32 v15, $0x3;
	v28 =	vnsel vm10, $0x0, v14;
	vm10 =	veq.s32 v55, $0x0  }
0xcf: {  	v30 =	vnsel vm11, $0x0, v14;
	vm11 =	veq.s32 v55, $0x1;
	v12 =	vand.u32 $0x7FFFFFFF, v12  }
0xd0: {  	v15 =	vsel vm10, $0x3F800000, v1;
	v34 =	vsel vm11, $0x3F800000, v1;
	v33 =	vnsel vm10, $0x0, v12  }
0xd1: {  	vm10 =	veq.s32 v55, $0x2;
	v35 =	vnsel vm11, $0x0, v12;
	vm11 =	veq.s32 v55, $0x3  }
0xd2: {  	v6 =	vadd.f32 v15, v6;
	v7 =	vadd.f32 v34, v7;
	v62 =	vnsel vm10, $0x0, v12  }
0xd3: {  	v2 =	vadd.f32 v33, v2;
	v3 =	vadd.f32 v35, v3;
	v12 =	vnsel vm11, $0x0, v12  }
0xd4: {  	v63 =	vsel vm10, $0x3F800000, v1;
	v4 =	vadd.f32 v62, v4;
	v5 =	vadd.f32 v12, v5  }
0xd5: {  	v59 =	vnsel vm4, $0x0, v13;
	v9 =	vadd.f32 v63, v9;
	v6 =	vadd.f32 v27, v6  }
0xd6: {  	v12 =	vnsel vm0, $0x0, v14;
	v7 =	vadd.f32 v29, v7;
	v2 =	vadd.f32 v28, v2  }
0xd7: {  	v14 =	vnsel vm9, $0x0, v14;
	v3 =	vadd.f32 v30, v3;
	v4 =	vadd.f32 v12, v4  }
0xd8: {  	v5 =	vadd.f32 v14, v5;
	v12 =	vnsel vm7, $0x0, v17;
	v6 =	vadd.f32 v56, v6  }
0xd9: {  	v14 =	vnsel vm8, $0x0, v17;
	v3 =	vadd.f32 v32, v3;
	v4 =	vadd.f32 v12, v4  }
0xda: {  	v2 =	vadd.f32 v57, v2;
	v5 =	vadd.f32 v14, v5;
	v12 =	vnsel vm6, $0x0, v13  }
0xdb: {  	v13 =	vnsel vm5, $0x0, v13;
	v3 =	vadd.f32 v61, v3;
	v12 =	vadd.f32 v12, v4  }
0xdc: {  	v14 =	vnsel vm1, $0x0, v51;
	v2 =	vadd.f32 v59, v2;
	v13 =	vadd.f32 v13, v5  }
0xdd: {  	v4 =	vadd.f32 v54, v3;
	v3 =	vadd.f32 v14, v12;
	v12 =	vsel vm11, $0x3F800000, v1  }
0xde: {  	v5 =	vadd.f32 v53, v2;
	v2 =	vnsel vm13, $0x0, v51;
	v10 =	vadd.f32 v12, v10  }
0xdf: {  	v2 =	vadd.f32 v2, v13;
	v13 =	vsel vm0, $0x3F800000, v1;
	v12 =	vsel vm9, $0x3F800000, v1  }
0xe0: {  	v11 =	vsel vm3, $0x3F800000, v1;
	v9 =	vadd.f32 v13, v9;
	v10 =	vadd.f32 v12, v10  }
0xe1: {  	v7 =	vadd.f32 v31, v7;
	v14 =	vsel vm7, $0x3F800000, v1;
	v12 =	vsel vm8, $0x3F800000, v1  }
0xe2: {  	v15 =	vsel vm5, $0x3F800000, v1;
	v9 =	vadd.f32 v14, v9;
	v14 =	vadd.f32 v12, v10  }
0xe3: {  	v6 =	vadd.f32 v58, v6;
	v7 =	vadd.f32 v60, v7;
	v13 =	vsel vm6, $0x3F800000, v1  }
0xe4: {  	s12 =	simm.s32 $0x0;
	s0 =	sadd.s32 $0x50, s31;
	v12 =	vsel vm1, $0x3F800000, v1;
	v10 =	vadd.f32 v13, v9;
	v13 =	vadd.f32 v15, v14  }
.LBB2_5:
0xe5: {  	s3 =	sadd.s32 s0, s6;
	v47 =	vimm.s32 $0x0;
	v6 =	vadd.f32 v8, v6;
	v7 =	vadd.f32 v11, v7  }
0xe6: {  	s7 =	sadd.s32 $0x50, s7;
	v8 =	vsel vm13, $0x3F800000, v1;
	v11 =	vor.u32 s3, v0;
	v9 =	vadd.f32 v12, v10  }
0xe7: {  	s13 =	sadd.s32 $0xFFFFFFE0, s3;
	s14 =	sadd.s32 $0xFFFFFFF0, s3;
	s17 =	sadd.s32 $0xFFFFFFD0, s3;
	v10 =	vadd.f32 v8, v13;
	v8 =	vmov s3;
	v11 =	vand.u32 $0x7F, v11  }
0xe8: {  	v14 =	vld [tilespmem:s7+$0x20];
	v12 =	vor.u32 s13, v0;
	v13 =	vor.u32 s14, v0;
	v15 =	vor.u32 s17, v0  }
0xe9: {  	v17 =	vld [tilespmem:s7+$0x10];
	s3 =	sadd.s32 $0xFFFFFFC0, s3;
	v16 =	vmov s13;
	v18 =	vmov s14;
	v21 =	vmov s17  }
0xea: {  	v22 =	vld [tilespmem:s7+$0x0];
	v8 =	vshll.u32 v8, $0x1;
	v19 =	vmov s3;
	v20 =	vor.u32 s3, v0  }
0xeb: {  	v23 =	vld [tilespmem:s7+$0xFFFFFFF0];
	v12 =	vand.u32 $0x7F, v12;
	v13 =	vand.u32 $0x7F, v13;
	v15 =	vand.u32 $0x7F, v15  }
0xec: {  	s8 =	sadd.s32 $0x50, s8;
	v24 =	vld [tilespmem:s7+$0xFFFFFFE0];
	v16 =	vshll.u32 v16, $0x1;
	v18 =	vshll.u32 v18, $0x1;
	v21 =	vshll.u32 v21, $0x1  }
0xed: {  	v30 =	vld [tilespmem:s8+$0x20];
	v8 =	vand.u32 $0xFFFFFF00, v8;
	v20 =	vand.u32 $0x7F, v20;
	v19 =	vshll.u32 v19, $0x1  }
0xee: {  	v21 =	vand.u32 $0xFFFFFF00, v21;
	v16 =	vand.u32 $0xFFFFFF00, v16;
	v18 =	vand.u32 $0xFFFFFF00, v18  }
0xef: {  	v19 =	vand.u32 $0xFFFFFF00, v19;
	v25 =	vshll.u32 v17, $0x7;
	v26 =	vshll.u32 v14, $0x7  }
0xf0: {  	v27 =	vshll.u32 v22, $0x7;
	v17 =	vshrl.u32 v17, $0x1;
	v14 =	vshrl.u32 v14, $0x1  }
0xf1: {  	v28 =	vshll.u32 v24, $0x7;
	v29 =	vshll.u32 v23, $0x7;
	v22 =	vshrl.u32 v22, $0x1  }
0xf2: {  	v24 =	vshrl.u32 v24, $0x1;
	v23 =	vshrl.u32 v23, $0x1;
	vm13 =	veq.s32 v30, $0x0  }
0xf3: {  	vm15 =	veq.s32 v30, $0x1;
	v26 =	vand.u32 $0x80, v26;
	v14 =	vmul.u32 $0x1100, v14  }
0xf4: {  	v27 =	vand.u32 $0x80, v27;
	v29 =	vand.u32 $0x80, v29;
	v22 =	vmul.u32 $0x1100, v22  }
0xf5: {  	v44 =	vld [tilespmem:s8+$0x10];
	v28 =	vand.u32 $0x80, v28;
	v8 =	vadd.s32 v8, v14;
	v14 =	vmul.u32 $0x1100, v24  }
0xf6: {  	v45 =	vld [tilespmem:s8+$0x0];
	v23 =	vmul.u32 $0x1100, v23;
	v16 =	vadd.s32 v16, v22;
	v8 =	vor.u32 v26, v8  }
0xf7: {  	v16 =	vor.u32 v27, v16;
	v8 =	vor.u32 v11, v8;
	v14 =	vadd.s32 v19, v14  }
0xf8: {  	v46 =	vld [tilespmem:s8+$0xFFFFFFF0];
	v11 =	vadd.s32 v21, v23;
	v12 =	vor.u32 v12, v16;
	v14 =	vor.u32 v28, v14  }
0xf9: {  	vm0 =	veq.s32 v30, $0x2;
	v11 =	vor.u32 v29, v11;
	v14 =	vor.u32 v20, v14  }
0xfa: {  	vm6 =	veq.s32 v44, $0x0;
	vm14 =	veq.s32 v44, $0x1;
	v11 =	vor.u32 v15, v11  }
0xfb: {  	vm7 =	veq.s32 v30, $0x3;
	vm5 =	veq.s32 v45, $0x0;
	vm9 =	veq.s32 v44, $0x2;
	v15 =	vld [tilespmem:s8+$0xFFFFFFE0]  }
0xfc: {  	vm10 =	veq.s32 v44, $0x3;
	vm2 =	veq.s32 v45, $0x1;
	v17 =	vmul.u32 $0x1100, v17;
	v48 =	vld.idx.msk [tilespmem:v8+s22+$0x0], $0xffff  }
0xfd: {  	vm8 =	veq.s32 v45, $0x2;
	vm11 =	veq.s32 v45, $0x3;
	vm3 =	veq.s32 v46, $0x0;
	v12 =	vld.idx.msk [tilespmem:v12+s22+$0x0], $0xffff  }
0xfe: {  	v25 =	vand.u32 $0x80, v25;
	v17 =	vadd.s32 v18, v17;
	v8 =	vimm.s32 $0x0;
	v14 =	vld.idx.msk [tilespmem:v14+s22+$0x0], $0xffff  }
0xff: {  	vm4 =	veq.s32 v46, $0x1;
	v17 =	vor.u32 v25, v17;
	v8 =	vsel vm9, $0xFFFFFFFF, v8;
	v49 =	vld.idx.msk [tilespmem:v11+s22+$0x0], $0xffff  }
0x100: {  	v51 =	vsel vm3, $0x3F800000, v1;
	v13 =	vor.u32 v13, v17;
	[tilespmem:$0x1FF90] =	vst v8;
	v8 =	vimm.s32 $0x0  }
0x101: {  	v17 =	vsel vm0, $0xFFFFFFFF, v47;
	vm9 =	veq.s32 v46, $0x2;
	v8 =	vsel vm10, $0xFFFFFFFF, v8  }
0x102: {  	vm0 =	veq.s32 v15, $0x0;
	vm1 =	veq.s32 v15, $0x1;
	[tilespmem:$0x1FFA0] =	vst v8;
	v8 =	vimm.s32 $0x0  }
0x103: {  	v8 =	vsel vm11, $0xFFFFFFFF, v8;
	v12 =	vsub.f32 $1.000000000e+00, v12;
	v14 =	vsub.f32 $1.000000000e+00, v14  }
0x104: {  	vm12 =	veq.s32 v15, $0x2;
	vm10 =	veq.s32 v46, $0x3;
	[tilespmem:$0x1FF80] =	vst v8;
	v18 =	vsub.f32 $1.000000000e+00, v49  }
0x105: {  	vm11 =	veq.s32 v15, $0x3;
	v12 =	vand.u32 $0x7FFFFFFF, v12;
	v63 =	vld [tilespmem:$0x1FF80];
	v14 =	vand.u32 $0x7FFFFFFF, v14  }
0x106: {  	v59 =	vnsel vm5, $0x0, v12;
	v18 =	vand.u32 $0x7FFFFFFF, v18;
	v33 =	vnsel vm0, $0x0, v14  }
0x107: {  	v34 =	vnsel vm1, $0x0, v14;
	v35 =	vnsel vm12, $0x0, v14;
	v14 =	vnsel vm11, $0x0, v14  }
0x108: {  	v62 =	vnsel vm3, $0x0, v18;
	v31 =	vnsel vm4, $0x0, v18;
	v2 =	vadd.f32 v14, v2  }
0x109: {  	v13 =	vld.idx.msk [tilespmem:v13+s22+$0x0], $0xffff;
	v3 =	vadd.f32 v35, v3;
	v14 =	vnsel vm9, $0x0, v18;
	v18 =	vnsel vm10, $0x0, v18  }
0x10a: {  	v32 =	vnsel vm2, $0x0, v12;
	vm3 =	vnez.u8 v63;
	v2 =	vadd.f32 v18, v2  }
0x10b: {  	v3 =	vadd.f32 v14, v3;
	v14 =	vnsel vm8, $0x0, v12;
	v12 =	vnsel vm3, $0x0, v12  }
0x10c: {  	v50 =	vsel vm14, $0x3F800000, v1;
	v52 =	vsel vm5, $0x3F800000, v1;
	v2 =	vadd.f32 v12, v2;
	v12 =	vld [tilespmem:$0x1FF90]  }
0x10d: {  	v53 =	vsel vm2, $0x3F800000, v1;
	v54 =	vsel vm4, $0x3F800000, v1;
	v55 =	vsel vm0, $0x3F800000, v1  }
0x10e: {  	v56 =	vsel vm1, $0x3F800000, v1;
	v6 =	vadd.f32 v55, v6;
	v13 =	vsub.f32 $1.000000000e+00, v13  }
0x10f: {  	v11 =	vsel vm15, $0x3F800000, v1;
	v7 =	vadd.f32 v56, v7;
	v15 =	vsel vm6, $0x3F800000, v1  }
0x110: {  	[tilespmem:$0x1FFB0] =	vst v17;
	v17 =	vsub.f32 $1.000000000e+00, v48;
	v6 =	vadd.f32 v51, v6;
	v13 =	vand.u32 $0x7FFFFFFF, v13  }
0x111: {  	v5 =	vadd.f32 v33, v5;
	v3 =	vadd.f32 v14, v3;
	vm4 =	vnez.u8 v12  }
0x112: {  	v7 =	vadd.f32 v54, v7;
	v4 =	vadd.f32 v34, v4;
	v14 =	vld [tilespmem:$0x1FFA0];
	v12 =	vnsel vm4, $0x0, v13  }
0x113: {  	v8 =	vsel vm13, $0x3F800000, v1;
	v5 =	vadd.f32 v62, v5;
	v3 =	vadd.f32 v12, v3;
	v12 =	vld [tilespmem:$0x1FFB0]  }
0x114: {  	v17 =	vand.u32 $0x7FFFFFFF, v17;
	v6 =	vadd.f32 v52, v6;
	v4 =	vadd.f32 v31, v4  }
0x115: {  	v57 =	vnsel vm13, $0x0, v17;
	v7 =	vadd.f32 v53, v7;
	v5 =	vadd.f32 v59, v5  }
0x116: {  	v60 =	vnsel vm6, $0x0, v13;
	v6 =	vadd.f32 v15, v6;
	v4 =	vadd.f32 v32, v4  }
0x117: {  	v61 =	vnsel vm14, $0x0, v13;
	v7 =	vadd.f32 v50, v7;
	v5 =	vadd.f32 v60, v5  }
0x118: {  	v4 =	vadd.f32 v61, v4;
	vm5 =	vnez.u8 v14;
	vm6 =	vnez.u8 v12  }
0x119: {  	v14 =	vsel vm12, $0x3F800000, v1;
	v13 =	vnsel vm5, $0x0, v13;
	v12 =	vnsel vm6, $0x0, v17  }
0x11a: {  	v2 =	vadd.f32 v13, v2;
	v3 =	vadd.f32 v12, v3;
	v12 =	vsel vm11, $0x3F800000, v1  }
0x11b: {  	s12 =	sadd.s32 $0x5, s12;
	v9 =	vadd.f32 v14, v9;
	v13 =	vnsel vm7, $0x0, v17;
	v10 =	vadd.f32 v12, v10  }
0x11c: {  	p0 =	slt.u32 s12, $0x78;
	v2 =	vadd.f32 v13, v2;
	v13 =	vsel vm10, $0x3F800000, v1;
	v12 =	vsel vm9, $0x3F800000, v1  }
.Ltmp1:
0x11d: {  	vm13 =	vmmov vm7;
	v9 =	vadd.f32 v12, v9;
	v10 =	vadd.f32 v13, v10;
	(pc) =	sbr.rel @p0 .LBB2_5-.Ltmp1, $4  }
0x11e: {  	v5 =	vadd.f32 v57, v5;
	v12 =	vsel vm8, $0x3F800000, v1;
	v13 =	vsel vm3, $0x3F800000, v1  }
0x11f: {  	v58 =	vnsel vm15, $0x0, v17;
	v9 =	vadd.f32 v12, v9;
	v12 =	vadd.f32 v13, v10  }
0x120: {  	v4 =	vadd.f32 v58, v4;
	v10 =	vsel vm4, $0x3F800000, v1;
	v13 =	vsel vm5, $0x3F800000, v1  }
0x121: {  	s0 =	sadd.s32 $0x50, s0;
	v10 =	vadd.f32 v10, v9;
	v13 =	vadd.f32 v13, v12;
	v12 =	vsel vm6, $0x3F800000, v1  }
0x122: {  	s29 =	sadd.s32 $0x1, s29  }
0x123: {  	p0 =	sne.s32 s29, $0xC  }
.Ltmp2:
0x124: {  	_ = 	snop;
	(pc) =	sbr.rel @p0 .LBB2_2-.Ltmp2, $3  }
0x125: {  	_ =	sdelay $0x1  }
0x126: {  	v9 =	vadd.f32 v8, v6;
	v8 =	vadd.f32 v11, v7;
	v6 =	vsel vm13, $0x3F800000, v1;
	s9 =	sadd.s32 $0xFA0, s9  }
0x127: {  	s15 =	sadd.s32 $0xFA0, s15;
	s16 =	sadd.s32 $0xFA0, s16;
	s31 =	sadd.s32 $0xFA0, s31;
	v7 =	vadd.f32 v12, v10;
	v6 =	vadd.f32 v6, v13  }
0x128: {  	_ =	swait.ge [sflag:s21], $0x1100  }
0x129: {  	[sflag:s21] =	ssyncset.done $0x0  }
0x12a: {  	[sflag:s21] =	ssyncadd.s32 $0xFFFFEF00  }
0x12b: {  	_ =	swait.ge [sflag:s21], $0x7D0  }
0x12c: {  	[sflag:s21] =	ssyncset.done $0x0  }
0x12d: {  	[sflag:s21] =	ssyncadd.s32 $0xFFFFF830  }
0x12e: {  	_ =	swait.ge [sflag:s21], $0x7D0  }
0x12f: {  	v10 =	vor.u32 s18, v0;
	s6 =	simm.s32 $0x2220;
	[sflag:s21] =	ssyncset.done $0x0  }
0x130: {  	s0 =	sadd.s32 $0xFFFFFFE0, s18;
	s3 =	sadd.s32 $0xFFFFFFF0, s18;
	v11 =	vmov s18;
	v10 =	vand.u32 $0x7F, v10;
	[sflag:s21] =	ssyncadd.s32 $0xFFFFF830  }
0x131: {  	s7 =	sadd.s32 $0xFFFFFFD0, s18;
	v12 =	vor.u32 s0, v0;
	v13 =	vor.u32 s3, v0;
	v11 =	vshll.u32 v11, $0x1;
	v14 =	vld [tilespmem:s6+$0x20]  }
0x132: {  	s8 =	sadd.s32 $0xFFFFFFC0, s18;
	v15 =	vor.u32 s7, v0;
	v16 =	vmov s0;
	v17 =	vmov s3;
	v18 =	vld [tilespmem:s6+$0x10]  }
0x133: {  	v19 =	vmov s8;
	v20 =	vor.u32 s8, v0;
	v21 =	vmov s7;
	v22 =	vld [tilespmem:s6+$0x0]  }
0x134: {  	v12 =	vand.u32 $0x7F, v12;
	v13 =	vand.u32 $0x7F, v13;
	v11 =	vand.u32 $0xFFFFFF00, v11;
	v23 =	vld [tilespmem:s6+$0xFFFFFFF0]  }
0x135: {  	s7 =	simm.s32 $0x3220;
	v15 =	vand.u32 $0x7F, v15;
	v16 =	vshll.u32 v16, $0x1;
	v17 =	vshll.u32 v17, $0x1;
	v62 =	vld [tilespmem:s6+$0xFFFFFFE0]  }
0x136: {  	v19 =	vshll.u32 v19, $0x1;
	v21 =	vshll.u32 v21, $0x1;
	v40 =	vand.u32 $0x7F, v20;
	v31 =	vld [tilespmem:s7+$0x20]  }
0x137: {  	v21 =	vand.u32 $0xFFFFFF00, v21;
	v16 =	vand.u32 $0xFFFFFF00, v16;
	v17 =	vand.u32 $0xFFFFFF00, v17;
	v34 =	vld [tilespmem:s7+$0x10]  }
0x138: {  	v35 =	vand.u32 $0xFFFFFF00, v19;
	v37 =	vld [tilespmem:s7+$0x0];
	v24 =	vshrl.u32 v14, $0x1;
	v25 =	vshll.u32 v18, $0x7  }
0x139: {  	v14 =	vshll.u32 v14, $0x7;
	v26 =	vshrl.u32 v22, $0x1;
	v22 =	vshll.u32 v22, $0x7  }
0x13a: {  	v63 =	vshrl.u32 v18, $0x1;
	v27 =	vshll.u32 v23, $0x7;
	v28 =	vshrl.u32 v23, $0x1  }
0x13b: {  	v32 =	vshrl.u32 v62, $0x1;
	v36 =	vshll.u32 v62, $0x7;
	vm0 =	veq.s32 v31, $0x0  }
0x13c: {  	vm2 =	veq.s32 v31, $0x1;
	vm3 =	veq.s32 v31, $0x2;
	vm9 =	veq.s32 v34, $0x0  }
0x13d: {  	vm10 =	veq.s32 v34, $0x1;
	vm4 =	veq.s32 v31, $0x3;
	vm11 =	veq.s32 v37, $0x0  }
0x13e: {  	vm6 =	veq.s32 v34, $0x2;
	vm5 =	veq.s32 v34, $0x3;
	v24 =	vmul.u32 $0x1100, v24  }
0x13f: {  	vm1 =	veq.s32 v37, $0x1;
	vm7 =	veq.s32 v37, $0x2;
	v14 =	vand.u32 $0x80, v14  }
0x140: {  	v26 =	vmul.u32 $0x1100, v26;
	v29 =	vand.u32 $0x80, v25;
	v11 =	vadd.s32 v11, v24  }
0x141: {  	v41 =	vld [tilespmem:s7+$0xFFFFFFF0];
	v30 =	vmul.u32 $0x1100, v28;
	v11 =	vor.u32 v14, v11;
	v14 =	vmul.u32 $0x1100, v63  }
0x142: {  	v16 =	vadd.s32 v16, v26;
	v10 =	vor.u32 v10, v11;
	v11 =	vand.u32 $0x80, v22  }
0x143: {  	v46 =	vld [tilespmem:s7+$0xFFFFFFE0];
	v33 =	vand.u32 $0x80, v27;
	v11 =	vor.u32 v11, v16;
	v14 =	vadd.s32 v17, v14  }
0x144: {  	v16 =	vadd.s32 v21, v30;
	v11 =	vor.u32 v12, v11;
	v14 =	vor.u32 v29, v14  }
0x145: {  	v12 =	vmul.u32 $0x1100, v32;
	v16 =	vor.u32 v33, v16;
	v13 =	vor.u32 v13, v14  }
0x146: {  	vm8 =	veq.s32 v37, $0x3;
	vm13 =	veq.s32 v41, $0x0;
	v39 =	vor.u32 v15, v16  }
0x147: {  	vm14 =	veq.s32 v41, $0x1;
	v38 =	vand.u32 $0x80, v36;
	v12 =	vadd.s32 v35, v12;
	v10 =	vld.idx.msk [tilespmem:v10+s5+$0x0], $0xffff  }
0x148: {  	vm15 =	veq.s32 v46, $0x0;
	vm12 =	veq.s32 v46, $0x1;
	v12 =	vor.u32 v38, v12  }
0x149: {  	v42 =	vsel vm0, $0x3F800000, v1;
	v53 =	vsel vm15, $0x3F800000, v1;
	v12 =	vor.u32 v40, v12;
	v11 =	vld.idx.msk [tilespmem:v11+s5+$0x0], $0xffff  }
0x14a: {  	v44 =	vsel vm2, $0x3F800000, v1;
	v47 =	vsel vm11, $0x3F800000, v1;
	v9 =	vadd.f32 v53, v9;
	v13 =	vld.idx.msk [tilespmem:v13+s5+$0x0], $0xffff  }
0x14b: {  	v49 =	vsel vm9, $0x3F800000, v1;
	v51 =	vsel vm10, $0x3F800000, v1;
	v27 =	vsel vm13, $0x3F800000, v1;
	v14 =	vld.idx.msk [tilespmem:v39+s5+$0x0], $0xffff  }
0x14c: {  	v34 =	vsel vm12, $0x3F800000, v1;
	v9 =	vadd.f32 v27, v9;
	v10 =	vsub.f32 $1.000000000e+00, v10  }
0x14d: {  	v31 =	vsel vm1, $0x3F800000, v1;
	v60 =	vsel vm7, $0x3F800000, v1;
	v8 =	vadd.f32 v34, v8  }
0x14e: {  	v9 =	vadd.f32 v47, v9;
	v29 =	vsel vm14, $0x3F800000, v1;
	v12 =	vld.idx.msk [tilespmem:v12+s5+$0x0], $0xffff;
	v10 =	vand.u32 $0x7FFFFFFF, v10  }
0x14f: {  	v8 =	vadd.f32 v29, v8;
	v11 =	vsub.f32 $1.000000000e+00, v11;
	v43 =	vnsel vm0, $0x0, v10  }
0x150: {  	v45 =	vnsel vm2, $0x0, v10;
	v13 =	vsub.f32 $1.000000000e+00, v13;
	v14 =	vsub.f32 $1.000000000e+00, v14  }
0x151: {  	vm0 =	veq.s32 v41, $0x2;
	v58 =	vnsel vm3, $0x0, v10;
	v11 =	vand.u32 $0x7FFFFFFF, v11  }
0x152: {  	v48 =	vnsel vm11, $0x0, v11;
	v13 =	vand.u32 $0x7FFFFFFF, v13;
	v14 =	vand.u32 $0x7FFFFFFF, v14  }
0x153: {  	v32 =	vnsel vm1, $0x0, v11;
	v56 =	vnsel vm7, $0x0, v11;
	v12 =	vsub.f32 $1.000000000e+00, v12  }
0x154: {  	v11 =	vnsel vm8, $0x0, v11;
	v28 =	vnsel vm13, $0x0, v14;
	v30 =	vnsel vm14, $0x0, v14  }
0x155: {  	vm13 =	veq.s32 v41, $0x3;
	vm14 =	veq.s32 v46, $0x2;
	v12 =	vand.u32 $0x7FFFFFFF, v12  }
0x156: {  	v33 =	vnsel vm15, $0x0, v12;
	v35 =	vnsel vm12, $0x0, v12;
	vm15 =	veq.s32 v46, $0x3  }
0x157: {  	v54 =	vnsel vm14, $0x0, v12;
	v4 =	vadd.f32 v35, v4;
	v12 =	vnsel vm15, $0x0, v12  }
0x158: {  	v55 =	vnsel vm0, $0x0, v14;
	v5 =	vadd.f32 v33, v5;
	v2 =	vadd.f32 v12, v2  }
0x159: {  	v14 =	vnsel vm13, $0x0, v14;
	v3 =	vadd.f32 v54, v3;
	v4 =	vadd.f32 v30, v4  }
0x15a: {  	v50 =	vnsel vm9, $0x0, v13;
	v5 =	vadd.f32 v28, v5;
	v2 =	vadd.f32 v14, v2  }
0x15b: {  	v52 =	vnsel vm10, $0x0, v13;
	v3 =	vadd.f32 v55, v3;
	v4 =	vadd.f32 v32, v4  }
0x15c: {  	v59 =	vsel vm14, $0x3F800000, v1;
	v5 =	vadd.f32 v48, v5;
	v2 =	vadd.f32 v11, v2  }
0x15d: {  	v3 =	vadd.f32 v56, v3;
	v57 =	vadd.f32 v52, v4;
	v4 =	vnsel vm5, $0x0, v13  }
0x15e: {  	v11 =	vnsel vm6, $0x0, v13;
	v5 =	vadd.f32 v50, v5;
	v2 =	vadd.f32 v4, v2  }
0x15f: {  	v10 =	vnsel vm4, $0x0, v10;
	v7 =	vadd.f32 v59, v7;
	v11 =	vadd.f32 v11, v3  }
0x160: {  	v4 =	vadd.f32 v43, v5;
	v2 =	vadd.f32 v10, v2;
	v10 =	vsel vm15, $0x3F800000, v1  }
0x161: {  	v5 =	vadd.f32 v58, v11;
	v11 =	vsel vm0, $0x3F800000, v1;
	v6 =	vadd.f32 v10, v6  }
0x162: {  	v8 =	vadd.f32 v31, v8;
	v7 =	vadd.f32 v11, v7;
	v10 =	vsel vm13, $0x3F800000, v1  }
0x163: {  	v61 =	vsel vm5, $0x3F800000, v1;
	v62 =	vadd.f32 v49, v9;
	v6 =	vadd.f32 v10, v6  }
0x164: {  	v63 =	vadd.f32 v51, v8;
	v7 =	vadd.f32 v60, v7;
	v10 =	vsel vm8, $0x3F800000, v1  }
0x165: {  	v3 =	vadd.f32 v45, v57;
	v11 =	vsel vm6, $0x3F800000, v1;
	v6 =	vadd.f32 v10, v6  }
0x166: {  	v8 =	vadd.f32 v11, v7;
	v11 =	vsel vm4, $0x3F800000, v1;
	v7 =	vadd.f32 v42, v62  }
0x167: {  	s8 =	simm.s32 $0x0;
	s0 =	sadd.s32 $0x50, s18;
	v10 =	vsel vm3, $0x3F800000, v1;
	v9 =	vadd.f32 v61, v6;
	v6 =	vadd.f32 v44, v63  }
.LBB2_8:
0x168: {  	v12 =	vor.u32 s0, v0;
	v40 =	vimm.s32 $0x0  }
0x169: {  	v41 =	vimm.s32 $0x0;
	v42 =	vimm.s32 $0x0;
	v43 =	vimm.s32 $0x0  }
0x16a: {  	s3 =	sadd.s32 $0xFFFFFFE0, s0;
	s9 =	sadd.s32 $0xFFFFFFF0, s0;
	s6 =	sadd.s32 $0x50, s6;
	v8 =	vadd.f32 v10, v8;
	v9 =	vadd.f32 v11, v9;
	v10 =	vmov s0  }
0x16b: {  	s12 =	sadd.s32 $0xFFFFFFD0, s0;
	v11 =	vand.u32 $0x7F, v12;
	v34 =	vor.u32 s3, v0;
	v13 =	vor.u32 s9, v0;
	v14 =	vld [tilespmem:s6+$0x20]  }
0x16c: {  	s13 =	sadd.s32 $0xFFFFFFC0, s0;
	v15 =	vor.u32 s12, v0;
	v16 =	vmov s3;
	v17 =	vld [tilespmem:s6+$0x10];
	v18 =	vmov s9  }
0x16d: {  	v19 =	vmov s13;
	v20 =	vor.u32 s13, v0;
	v21 =	vmov s12;
	v22 =	vld [tilespmem:s6+$0x0]  }
0x16e: {  	v23 =	vld [tilespmem:s6+$0xFFFFFFF0];
	v10 =	vshll.u32 v10, $0x1;
	v12 =	vand.u32 $0x7F, v34;
	v13 =	vand.u32 $0x7F, v13  }
0x16f: {  	v24 =	vld [tilespmem:s6+$0xFFFFFFE0];
	v15 =	vand.u32 $0x7F, v15;
	v16 =	vshll.u32 v16, $0x1;
	v18 =	vshll.u32 v18, $0x1  }
0x170: {  	s7 =	sadd.s32 $0x50, s7;
	v20 =	vand.u32 $0x7F, v20;
	v19 =	vshll.u32 v19, $0x1;
	v21 =	vshll.u32 v21, $0x1  }
0x171: {  	v30 =	vld [tilespmem:s7+$0x20];
	v10 =	vand.u32 $0xFFFFFF00, v10;
	v21 =	vand.u32 $0xFFFFFF00, v21;
	v16 =	vand.u32 $0xFFFFFF00, v16  }
0x172: {  	v36 =	vld [tilespmem:s7+$0x10];
	v18 =	vand.u32 $0xFFFFFF00, v18;
	v19 =	vand.u32 $0xFFFFFF00, v19;
	v25 =	vshll.u32 v17, $0x7  }
0x173: {  	v26 =	vshll.u32 v14, $0x7;
	v27 =	vshll.u32 v22, $0x7;
	v17 =	vshrl.u32 v17, $0x1  }
0x174: {  	v14 =	vshrl.u32 v14, $0x1;
	v28 =	vshll.u32 v24, $0x7;
	v29 =	vshll.u32 v23, $0x7  }
0x175: {  	v22 =	vshrl.u32 v22, $0x1;
	v24 =	vshrl.u32 v24, $0x1;
	v23 =	vshrl.u32 v23, $0x1  }
0x176: {  	vm13 =	veq.s32 v30, $0x0;
	vm15 =	veq.s32 v30, $0x1;
	vm0 =	veq.s32 v30, $0x2  }
0x177: {  	vm6 =	veq.s32 v36, $0x0;
	vm14 =	veq.s32 v36, $0x1;
	vm11 =	veq.s32 v30, $0x3  }
0x178: {  	v26 =	vand.u32 $0x80, v26;
	v27 =	vand.u32 $0x80, v27;
	v22 =	vmul.u32 $0x1100, v22  }
0x179: {  	v37 =	vld [tilespmem:s7+$0x0];
	v14 =	vmul.u32 $0x1100, v14;
	v29 =	vand.u32 $0x80, v29;
	v35 =	vmul.u32 $0x1100, v24  }
0x17a: {  	v38 =	vld [tilespmem:s7+$0xFFFFFFF0];
	v28 =	vand.u32 $0x80, v28;
	v23 =	vmul.u32 $0x1100, v23;
	v16 =	vadd.s32 v16, v22  }
0x17b: {  	v39 =	vld [tilespmem:s7+$0xFFFFFFE0];
	v10 =	vadd.s32 v10, v14;
	v14 =	vadd.s32 v19, v35;
	v16 =	vor.u32 v27, v16  }
0x17c: {  	v10 =	vor.u32 v26, v10;
	v14 =	vor.u32 v28, v14;
	v12 =	vor.u32 v12, v16  }
0x17d: {  	v10 =	vor.u32 v11, v10;
	v11 =	vadd.s32 v21, v23;
	v14 =	vor.u32 v20, v14  }
0x17e: {  	vm5 =	veq.s32 v37, $0x0;
	vm12 =	veq.s32 v36, $0x2;
	v11 =	vor.u32 v29, v11  }
0x17f: {  	vm4 =	veq.s32 v36, $0x3;
	vm8 =	veq.s32 v37, $0x2;
	v11 =	vor.u32 v15, v11  }
0x180: {  	vm7 =	veq.s32 v37, $0x3;
	vm2 =	veq.s32 v38, $0x0;
	vm1 =	veq.s32 v39, $0x1  }
0x181: {  	vm3 =	veq.s32 v38, $0x1;
	v17 =	vmul.u32 $0x1100, v17;
	v53 =	vsel vm1, $0x3F800000, v1;
	v12 =	vld.idx.msk [tilespmem:v12+s5+$0x0], $0xffff  }
0x182: {  	vm9 =	veq.s32 v38, $0x2;
	vm10 =	veq.s32 v38, $0x3;
	v6 =	vadd.f32 v53, v6;
	v14 =	vld.idx.msk [tilespmem:v14+s5+$0x0], $0xffff  }
0x183: {  	v25 =	vand.u32 $0x80, v25;
	v51 =	vsel vm3, $0x3F800000, v1;
	v17 =	vadd.s32 v18, v17  }
0x184: {  	v48 =	vsel vm2, $0x3F800000, v1;
	v17 =	vor.u32 v25, v17;
	v6 =	vadd.f32 v51, v6;
	v11 =	vld.idx.msk [tilespmem:v11+s5+$0x0], $0xffff  }
0x185: {  	v13 =	vor.u32 v13, v17;
	v17 =	vsel vm0, $0xFFFFFFFF, v40;
	vm0 =	veq.s32 v39, $0x0  }
0x186: {  	[tilespmem:$0x1FF60] =	vst v17;
	v17 =	vsel vm11, $0xFFFFFFFF, v41;
	vm11 =	veq.s32 v39, $0x3;
	v52 =	vsel vm0, $0x3F800000, v1  }
0x187: {  	[tilespmem:$0x1FF70] =	vst v17;
	v17 =	vsel vm12, $0xFFFFFFFF, v42;
	v12 =	vsub.f32 $1.000000000e+00, v12;
	v14 =	vsub.f32 $1.000000000e+00, v14  }
0x188: {  	vm12 =	veq.s32 v39, $0x2;
	v7 =	vadd.f32 v52, v7;
	[tilespmem:$0x1FF40] =	vst v17;
	v17 =	vsel vm4, $0xFFFFFFFF, v43  }
0x189: {  	v11 =	vsub.f32 $1.000000000e+00, v11;
	v12 =	vand.u32 $0x7FFFFFFF, v12;
	v14 =	vand.u32 $0x7FFFFFFF, v14  }
0x18a: {  	v33 =	vnsel vm0, $0x0, v14;
	v34 =	vnsel vm1, $0x0, v14;
	v35 =	vnsel vm12, $0x0, v14  }
0x18b: {  	v14 =	vnsel vm11, $0x0, v14;
	v11 =	vand.u32 $0x7FFFFFFF, v11;
	v5 =	vadd.f32 v35, v5  }
0x18c: {  	v13 =	vld.idx.msk [tilespmem:v13+s5+$0x0], $0xffff;
	v2 =	vadd.f32 v14, v2;
	v59 =	vnsel vm2, $0x0, v11;
	v60 =	vnsel vm9, $0x0, v11  }
0x18d: {  	v31 =	vnsel vm3, $0x0, v11;
	v11 =	vnsel vm10, $0x0, v11;
	v5 =	vadd.f32 v60, v5  }
0x18e: {  	vm4 =	veq.s32 v37, $0x1;
	v10 =	vld.idx.msk [tilespmem:v10+s5+$0x0], $0xffff;
	v2 =	vadd.f32 v11, v2;
	v11 =	vnsel vm8, $0x0, v12  }
0x18f: {  	v50 =	vsel vm4, $0x3F800000, v1;
	v7 =	vadd.f32 v48, v7;
	v5 =	vadd.f32 v11, v5;
	v11 =	vld [tilespmem:$0x1FF40]  }
0x190: {  	v44 =	vsel vm13, $0x3F800000, v1;
	v49 =	vsel vm5, $0x3F800000, v1;
	v6 =	vadd.f32 v50, v6  }
0x191: {  	v45 =	vsel vm6, $0x3F800000, v1;
	v7 =	vadd.f32 v49, v7;
	v13 =	vsub.f32 $1.000000000e+00, v13  }
0x192: {  	v46 =	vsel vm14, $0x3F800000, v1;
	v47 =	vsel vm15, $0x3F800000, v1;
	v63 =	vsel vm12, $0x3F800000, v1  }
0x193: {  	[tilespmem:$0x1FF50] =	vst v17;
	v6 =	vadd.f32 v46, v6;
	v7 =	vadd.f32 v45, v7;
	v13 =	vand.u32 $0x7FFFFFFF, v13  }
0x194: {  	v61 =	vld [tilespmem:$0x1FF50];
	v10 =	vsub.f32 $1.000000000e+00, v10;
	v57 =	vnsel vm6, $0x0, v13;
	vm6 =	vnez.u8 v11  }
0x195: {  	v62 =	vld [tilespmem:$0x1FF70];
	v8 =	vadd.f32 v63, v8;
	v6 =	vadd.f32 v47, v6;
	v11 =	vnsel vm6, $0x0, v13  }
0x196: {  	v7 =	vadd.f32 v44, v7;
	v10 =	vand.u32 $0x7FFFFFFF, v10;
	v5 =	vadd.f32 v11, v5;
	v11 =	vld [tilespmem:$0x1FF60]  }
0x197: {  	v54 =	vnsel vm13, $0x0, v10;
	v55 =	vnsel vm15, $0x0, v10;
	v56 =	vnsel vm5, $0x0, v12  }
0x198: {  	v58 =	vnsel vm14, $0x0, v13;
	v32 =	vnsel vm4, $0x0, v12;
	v12 =	vnsel vm7, $0x0, v12  }
0x199: {  	vm13 =	vnez.u8 v61;
	v4 =	vadd.f32 v33, v4;
	v2 =	vadd.f32 v12, v2  }
0x19a: {  	vm15 =	vnez.u8 v62;
	v3 =	vadd.f32 v34, v3;
	v12 =	vnsel vm13, $0x0, v13  }
0x19b: {  	v4 =	vadd.f32 v59, v4;
	v2 =	vadd.f32 v12, v2;
	vm14 =	vnez.u8 v11  }
0x19c: {  	v3 =	vadd.f32 v31, v3;
	v11 =	vnsel vm14, $0x0, v10;
	v10 =	vnsel vm15, $0x0, v10  }
0x19d: {  	v4 =	vadd.f32 v56, v4;
	v2 =	vadd.f32 v10, v2;
	v10 =	vsel vm11, $0x3F800000, v1  }
0x19e: {  	s8 =	sadd.s32 $0x5, s8;
	v3 =	vadd.f32 v32, v3;
	v9 =	vadd.f32 v10, v9;
	v10 =	vsel vm9, $0x3F800000, v1  }
0x19f: {  	p0 =	slt.u32 s8, $0x78;
	v5 =	vadd.f32 v11, v5;
	v11 =	vsel vm10, $0x3F800000, v1;
	v8 =	vadd.f32 v10, v8  }
.Ltmp3:
0x1a0: {  	v4 =	vadd.f32 v57, v4;
	v10 =	vsel vm8, $0x3F800000, v1;
	v9 =	vadd.f32 v11, v9;
	(pc) =	sbr.rel @p0 .LBB2_8-.Ltmp3, $4  }
0x1a1: {  	v3 =	vadd.f32 v58, v3;
	v11 =	vsel vm7, $0x3F800000, v1;
	v8 =	vadd.f32 v10, v8  }
0x1a2: {  	v4 =	vadd.f32 v54, v4;
	v10 =	vsel vm6, $0x3F800000, v1;
	v9 =	vadd.f32 v11, v9  }
0x1a3: {  	v3 =	vadd.f32 v55, v3;
	v11 =	vsel vm13, $0x3F800000, v1;
	v8 =	vadd.f32 v10, v8  }
0x1a4: {  	s0 =	sadd.s32 $0x50, s0;
	v10 =	vsel vm14, $0x3F800000, v1;
	v9 =	vadd.f32 v11, v9;
	v11 =	vsel vm15, $0x3F800000, v1  }
0x1a5: {  	(xrf2) =	vadd.scan.msk.f32 $0xffff, v4  }
0x1a6: {  	(xrf2) =	vadd.scan.msk.f32 $0xffff, v7  }
0x1a7: {  	(xrf2) =	vadd.scan.msk.f32 $0xffff, v3  }
0x1a8: {  	v3 =	vadd.f32 v10, v8;
	(xrf2) =	vadd.scan.msk.f32 $0xffff, v6  }
0x1a9: {  	(xrf2) =	vadd.scan.msk.f32 $0xffff, v5  }
0x1aa: {  	v54 =	vadd.f32 v11, v9;
	(xrf2) =	vadd.scan.msk.f32 $0xffff, v3  }
0x1ab: {  	(xrf2) =	vadd.scan.msk.f32 $0xffff, v2  }
0x1ac: {  	(xrf2) =	vadd.scan.msk.f32 $0xffff, v54;
	_ =	sdelay $0x2  }
0x1ad: {  	v2, _, _ =	vpop (xrf2)  }
0x1ae: {  	v3, _, _ =	vpop (xrf2)  }
0x1af: {  	v55, _, _ =	vpop (xrf2)  }
0x1b0: {  	vm0 =	vmmov $0x1;
	v2 =	vbroadcast v2, $0xF;
	v56, _, _ =	vpop (xrf2)  }
0x1b1: {  	vm13 =	vcmask $0x310;
	vm14 =	vcmask $0x710;
	v3 =	vbroadcast v3, $0xF;
	v57, _, _ =	vpop (xrf2)  }
0x1b2: {  	vm15 =	vcmask $0xB10;
	v2 =	vnsel vm0, $0x0, v2;
	v4 =	vbroadcast v55, $0xF;
	v58, _, _ =	vpop (xrf2)  }
0x1b3: {  	v3 =	vnsel vm0, $0x0, v3;
	v5 =	vbroadcast v56, $0xF;
	v6 =	vbroadcast v57, $0xF;
	v59, _, _ =	vpop (xrf2)  }
0x1b4: {  	v2 =	vsel vm13, v2, v4;
	v60 =	vbroadcast v58, $0xF;
	v61 =	vbroadcast v59, $0xF;
	v62, _, _ =	vpop (xrf2)  }
0x1b5: {  	v3 =	vsel vm13, v3, v5;
	v2 =	vsel vm14, v2, v6;
	v63 =	vbroadcast v62, $0xF  }
0x1b6: {  	v3 =	vsel vm14, v3, v60;
	v2 =	vsel vm15, v2, v61  }
0x1b7: {  	v3 =	vsel vm15, v3, v63;
	[tilespmem:$0x4200] =	vst v2  }
0x1b8: {  	s0 =	rddreg [dreg:$0x9];
	s3 =	simm.s32 $0x4200;
	s28 =	simm.s32 $0x3;
	[tilespmem:$0x4280] =	vst v3  }
0x1b9: {  	[hbm4b:s0+s5] =	stream.linear.scatter [tilespmem:s3], [sflag:$0x3], $0x80, $0x38;
	[tilespmem:$0x4300] =	vst v63  }
0x1ba: {  	_ =	swait.ge [sflag:s28], $0x80  }
0x1bb: {  	[sflag:s28] =	ssyncset.done $0x0  }
0x1bc: {  	s6 =	simm.s32 $0x4280;
	s29 =	rddreg [dreg:$0xa];
	[sflag:s28] =	ssyncadd.s32 $0xFFFFFF80  }
0x1bd: {  	[hbm4b:s29+s5] =	stream.linear.scatter [tilespmem:s6], [sflag:$0x3], $0x80, $0x38;
	[tilespmem:$0x4300] =	vst v63  }
0x1be: {  	_ =	swait.ge [sflag:s28], $0x80  }
0x1bf: {  	s30 =	sadd.s32 $0x1, s30;
	s31 =	rddreg [dreg:$0xb]  }
0x1c0: {  	p0 =	sne.s32 s30, s31  }
.Ltmp4:
0x1c1: {  	_ = 	snop;
	(pc) =	sbr.rel @p0 .LBB2_1-.Ltmp4, $3  }
0x1c2: {  	_ =	sdelay $0x1  }
0x1c3: {  	[sflag:s28] =	ssyncset.done $0x0  }
0x1c4: {  	[sflag:s28] =	ssyncadd.s32 $0xFFFFFF80  }
0x1c5: {  	_ =	sfence.sel $0x180000  }
0x1c6: {  	[bflag:$0x0] =	sbarrier.arrive $0xFFFF  }
0x1c7: {  	_ =	strace $0x90000047  }
0x1c8: {  	s0 =	stileid.u32;
	[bflag:$0x2] =	sbarrier.arrive $0xFFFF  }
0x1c9: {  	p0 =	sne.s32 s0, $0x0;
	s0 =	rddreg [dreg:$0x4]  }
0x1ca: {  	s0 =	sadd.s32 @!p0 $0x100000, s0  }
0x1cb: {  	[sflag:s0] =	ssyncadd.tile.s32 @!p0 $0x1;
	_ =	shalt  }
.Lfunc_end2:
_tile_overlayer_lowered:
.L_overlay_start_2:
0x1cc: {  	(tag) =	ssettag $0x2  }
0x1cd: {  	s0 =	rddreg [dreg:$0x0];
	s2 =	stileid.u32  }
0x1ce: {  	s1 =	rddreg [dreg:$0x1];
	p0 =	sne.s32 s2, $0x0  }
0x1cf: {  	s3 =	rddreg [dreg:$0x2];
	[bflag:$0x3] =	sbarrier.arrive $0xFFFF;
	s2 =	simm.s32 @!p0 $0x1C03  }
0x1d0: {  	[timem:s3], [sflag:s2] =	dma.local @!p0 [hbm:s0], s1  }
0x1d1: {  	s0 =	simm.s32 @!p0 $0x3  }
0x1d2: {  	_ =	swait.ge @!p0 [sflag:s0], s1  }
0x1d3: {  	s1 =	ssub.s32 @!p0 $0x0, s1;
	[sflag:s0] =	ssyncset.done @!p0 $0x0  }
0x1d4: {  	[sflag:s0] =	ssyncadd.s32 @!p0 s1  }
0x1d5: {  	[bflag:$0x3] =	sbarrier.arrive $0xFFFF  }
0x1d6: {  	_ =	shalt  }

</sc_bundles>
